<compile_context>
chip_gen: v7x
topology: tpu7x:2x2x1
jax: 0.10.2.dev20260603
libtpu: 0.0.44.dev20260713+nightly
codegen_flags: <defaults>
</compile_context>

<pallas_src>
import functools

import jax
import jax.numpy as jnp
from jax import lax
from jax.experimental import pallas as pl
from jax.experimental.pallas import tpu as pltpu
from jax.experimental.pallas import tpu_sc as plsc

B, S, D, E, K = 4, 8192, 768, 8, 2
N = B * S
NCHUNK = 2
NH = N // NCHUNK
TBLK = 4096
NW = 32
TPW = NH // NW
GRP = 16
NG = TPW // GRP



def _noisy_logits_body(x_ref, w_ref, b_ref, eps_ref, out_ref):
    xb = x_ref[...]
    z = jnp.dot(xb, w_ref[...],
                preferred_element_type=jnp.float32) + b_ref[...]
    logits = z[:, :E]
    scale = jax.nn.softplus(z[:, E:])
    noisy = logits + eps_ref[...] * scale
    out_ref[...] = noisy.T


def _noisy_logits(x2, Wcat, bcat, eps2, chunk):
    nblk = NH // TBLK
    return pl.pallas_call(
        _noisy_logits_body,
        grid=(nblk,),
        in_specs=[
            pl.BlockSpec((TBLK, D), lambda i: (i + chunk * nblk, 0)),
            pl.BlockSpec((D, 2 * E), lambda i: (0, 0)),
            pl.BlockSpec((2 * E,), lambda i: (0,)),
            pl.BlockSpec((TBLK, E), lambda i: (i + chunk * nblk, 0)),
        ],
        out_specs=pl.BlockSpec((E, TBLK), lambda i: (0, i)),
        out_shape=jax.ShapeDtypeStruct((E, NH), jnp.float32),
        compiler_params=pltpu.CompilerParams(
            dimension_semantics=("arbitrary",)),
    )(x2, Wcat, bcat, eps2)



_MASKED = -1e30


def _route_body(nz_hbm, rout_hbm, idx_hbm, part_hbm,
                nz_v, rout_v, idx_v, acc_v):
    c = lax.axis_index("c")
    s = lax.axis_index("s")
    wid = s * 2 + c
    tok0 = wid * TPW

    pltpu.sync_copy(nz_hbm.at[:, pl.ds(tok0, TPW)], nz_v)

    zero16 = jnp.zeros((GRP,), jnp.float32)
    for e in range(E):
        acc_v[e] = zero16

    def body(g, carry):
        off = g * GRP
        v = [nz_v[e, pl.ds(off, GRP)] for e in range(E)]

        m1 = v[0]
        for e in range(1, E):
            m1 = jnp.maximum(m1, v[e])
        i1 = jnp.full((GRP,), E - 1, jnp.int32)
        for e in range(E - 2, -1, -1):
            i1 = jnp.where(v[e] == m1, e, i1)

        vm = [jnp.where(i1 == e, _MASKED, v[e]) for e in range(E)]
        m2 = vm[0]
        for e in range(1, E):
            m2 = jnp.maximum(m2, vm[e])
        i2 = jnp.full((GRP,), E - 1, jnp.int32)
        for e in range(E - 2, -1, -1):
            i2 = jnp.where(vm[e] == m2, e, i2)

        t = jnp.exp(m2 - m1)
        p1 = 1.0 / (1.0 + t)
        p2 = t * p1

        for e in range(E):
            r_e = jnp.where(i1 == e, p1,
                            jnp.where(i2 == e, p2, jnp.float32(0.0)))
            rout_v[e, pl.ds(off, GRP)] = r_e
            plsc.addupdate(acc_v.at[e], r_e)

        idx_v[0, pl.ds(off, GRP)] = i1
        idx_v[1, pl.ds(off, GRP)] = i2
        return carry

    lax.fori_loop(0, NG, body, 0)

    pltpu.sync_copy(rout_v, rout_hbm.at[:, pl.ds(tok0, TPW)])
    pltpu.sync_copy(idx_v, idx_hbm.at[:, pl.ds(tok0, TPW)])
    pltpu.sync_copy(acc_v, part_hbm.at[wid])


def _route(noisyT):
    mesh = plsc.VectorSubcoreMesh(core_axis_name="c", subcore_axis_name="s")
    fn = pl.kernel(
        _route_body,
        mesh=mesh,
        out_type=(
            jax.ShapeDtypeStruct((E, NH), jnp.float32),
            jax.ShapeDtypeStruct((K, NH), jnp.int32),
            jax.ShapeDtypeStruct((NW, E, GRP), jnp.float32),
        ),
        scratch_types=[
            pltpu.VMEM((E, TPW), jnp.float32),
            pltpu.VMEM((E, TPW), jnp.float32),
            pltpu.VMEM((K, TPW), jnp.int32),
            pltpu.VMEM((E, GRP), jnp.float32),
        ],
        compiler_params=pltpu.CompilerParams(needs_layout_passes=False),
    )
    return fn(noisyT)



def kernel(x, Wr, br, Wn, bn, eps):
    x2 = x.reshape(N, D)
    eps2 = eps.reshape(N, E)
    Wcat = jnp.concatenate([Wr, Wn], axis=1)
    bcat = jnp.concatenate([br, bn], axis=0)

    routTs, idxTs, parts = [], [], []
    for chunk in range(NCHUNK):
        noisyT = _noisy_logits(x2, Wcat, bcat, eps2, chunk)
        routT, idxT, part = _route(noisyT)
        routTs.append(routT)
        idxTs.append(idxT)
        parts.append(part)

    routT = jnp.concatenate(routTs, axis=1)
    idxT = jnp.concatenate(idxTs, axis=1)
    router_output = routT.T.reshape(B, S, E)
    indices = idxT.T.reshape(B, S, K)
    psum = parts[0]
    for p in parts[1:]:
        psum = psum + p
    router_prob = psum.sum(axis=(0, 2)) / jnp.float32(N)
    aux_loss = jnp.sum((router_prob - jnp.float32(1.0 / E)) ** 2)
    return (router_output, indices, aux_loss)

# --- scband reference (transcript-rebuilt; emitter-appended) ---
"""Pipeline reference for scband-noisy-topk-router-57140244906729 (READ-ONLY COPY).

The authoritative reference and input builder live on the scoring server;
editing this copy changes nothing except your own understanding.
"""

import jax, jax.numpy as jnp
import numpy as np

B, S, D, E, K = 4, 8192, 768, 8, 2
TEMP = 1.0


def setup_inputs(seed: int = 0) -> dict:
    key = jax.random.key(seed)
    ks = jax.random.split(key, 5)
    x = jax.random.normal(ks[0], (B, S, D), dtype=jnp.float32)
    Wr = jax.random.normal(ks[1], (D, E), dtype=jnp.float32) * 0.02
    br = jnp.zeros((E,), dtype=jnp.float32)
    Wn = jax.random.normal(ks[2], (D, E), dtype=jnp.float32) * 0.02
    bn = jnp.zeros((E,), dtype=jnp.float32)
    # eps replaces torch.randn_like(logits): a fixed standard-normal draw
    eps = jax.random.normal(ks[3], (B, S, E), dtype=jnp.float32)
    return {"x": x, "Wr": Wr, "br": br, "Wn": Wn, "bn": bn, "eps": eps}


def reference(x, Wr, br, Wn, bn, eps):
    logits = x @ Wr + br                      # topkroute_linear
    noise_logits = x @ Wn + bn                # noise_linear
    noise_scale = jax.nn.softplus(noise_logits)
    noise = eps * noise_scale
    noisy_logits = logits + noise
    scaled_logits = noisy_logits / TEMP
    top_k_logits, indices = jax.lax.top_k(scaled_logits, K)
    # scatter top-k values into a -inf tensor along the last dim
    mask = (indices[..., None] == jnp.arange(E)).any(axis=-2)
    sparse_logits = jnp.where(mask, scaled_logits, -jnp.inf)
    router_output = jax.nn.softmax(sparse_logits, axis=-1)
    router_prob = router_output.mean(axis=(0, 1))
    target = 1.0 / E
    aux_loss = jnp.sum((router_prob - target) ** 2)
    return (router_output, indices, aux_loss)

if __name__ == "__main__":
    import jax
    _d = setup_inputs()
    print(jax.jit(kernel)(*tuple(_d.values())))

</pallas_src>

<mosaic_0001>
#map = affine_map<(d0, d1) -> (0, 0)>
#map1 = affine_map<(d0, d1) -> (0, 0, 0)>
module attributes {stable_mosaic.version = 14 : i64} {
  func.func @_route_body(%arg0: i32, %arg1: i32, %arg2: memref<8x16384xf32, #tpu.memory_space<hbm>>, %arg3: memref<8x16384xf32, #tpu.memory_space<hbm>>, %arg4: memref<2x16384xi32, #tpu.memory_space<hbm>>, %arg5: memref<32x8x16xf32, #tpu.memory_space<hbm>>, %arg6: memref<8x512xf32, #tpu.memory_space<vmem>>, %arg7: memref<8x512xf32, #tpu.memory_space<vmem>>, %arg8: memref<2x512xi32, #tpu.memory_space<vmem>>, %arg9: memref<8x16xf32, #tpu.memory_space<vmem>>) attributes {dimension_semantics = [#tpu.dimension_semantics<core_parallel>, #tpu.dimension_semantics<subcore_parallel>], iteration_bounds = array<i64: 2, 16>, scalar_prefetch = 0 : i64, scratch_operands = 4 : i64, tpu.core_type = #tpu.core_type<sc_vector_subcore>, window_params = [{transform_indices = #map}, {transform_indices = #map}, {transform_indices = #map}, {transform_indices = #map1}]} {
    %mul3A = arith.constant 2 : i32
    %mul3A_0 = arith.muli %arg1, %mul3A : i32
    %add3A = arith.addi %mul3A_0, %arg0 : i32
    %mul3A_1 = arith.constant 512 : i32
    %mul3A_2 = arith.muli %add3A, %mul3A_1 : i32
    "tpu.region"() ({
      %run_scoped3A = tpu.sem_alloc : memref<!tpu.dma_semaphore, #tpu.memory_space<semaphore_mem>>
      %dma_start3A = arith.constant 0 : i32
      %dma_start3A_40 = tpu.memref_slice %arg2[%dma_start3A, %mul3A_2] : memref<8x16384xf32, #tpu.memory_space<hbm>> -> memref<8x512xf32, #tpu.memory_space<hbm>>
      %dma_start3A_41 = arith.constant 0 : i32
      %dma_start3A_42 = tpu.memref_slice %arg2[%dma_start3A_41, %mul3A_2] : memref<8x16384xf32, #tpu.memory_space<hbm>> -> memref<8x512xf32, #tpu.memory_space<hbm>>
      tpu.enqueue_dma source(%dma_start3A_42 : memref<8x512xf32, #tpu.memory_space<hbm>>) target(%arg6 : memref<8x512xf32, #tpu.memory_space<vmem>>) target_semaphore(%run_scoped3A : memref<!tpu.dma_semaphore, #tpu.memory_space<semaphore_mem>>)
      %dma_wait3A = arith.constant 0 : i32
      %dma_wait3A_43 = tpu.memref_slice %arg2[%dma_wait3A, %mul3A_2] : memref<8x16384xf32, #tpu.memory_space<hbm>> -> memref<8x512xf32, #tpu.memory_space<hbm>>
      %dma_wait3A_44 = arith.constant 0 : i32
      %dma_wait3A_45 = tpu.memref_slice %arg2[%dma_wait3A_44, %mul3A_2] : memref<8x16384xf32, #tpu.memory_space<hbm>> -> memref<8x512xf32, #tpu.memory_space<hbm>>
      tpu.wait_dma2 semaphore(%run_scoped3A : memref<!tpu.dma_semaphore, #tpu.memory_space<semaphore_mem>>) src(%dma_wait3A_45 : memref<8x512xf32, #tpu.memory_space<hbm>>) dst(%arg6 : memref<8x512xf32, #tpu.memory_space<vmem>>)
      tpu.yield
    }) : () -> ()
    %broadcast_in_dim3A = arith.constant 0.000000e+00 : f32
    %broadcast_in_dim3A_3 = vector.broadcast %broadcast_in_dim3A : f32 to vector<16xf32>
    %swap3A = arith.constant 0 : i32
    %swap3A_4 = arith.index_cast %swap3A : i32 to index
    %swap3A_5 = arith.constant 0 : index
    %swap3A_6 = tpu.vector_load %arg9[%swap3A_4, %swap3A_5] {strides = array<i32>} : memref<8x16xf32, #tpu.memory_space<vmem>>, vector<16xf32>,
    tpu.vector_store %arg9[%swap3A_4, %swap3A_5], %broadcast_in_dim3A_3 {strides = array<i32>} : memref<8x16xf32, #tpu.memory_space<vmem>>, vector<16xf32>,
    %swap3A_7 = arith.constant 1 : i32
    %swap3A_8 = arith.index_cast %swap3A_7 : i32 to index
    %swap3A_9 = arith.constant 0 : index
    %swap3A_10 = tpu.vector_load %arg9[%swap3A_8, %swap3A_9] {strides = array<i32>} : memref<8x16xf32, #tpu.memory_space<vmem>>, vector<16xf32>,
    tpu.vector_store %arg9[%swap3A_8, %swap3A_9], %broadcast_in_dim3A_3 {strides = array<i32>} : memref<8x16xf32, #tpu.memory_space<vmem>>, vector<16xf32>,
    %swap3A_11 = arith.constant 2 : i32
    %swap3A_12 = arith.index_cast %swap3A_11 : i32 to index
    %swap3A_13 = arith.constant 0 : index
    %swap3A_14 = tpu.vector_load %arg9[%swap3A_12, %swap3A_13] {strides = array<i32>} : memref<8x16xf32, #tpu.memory_space<vmem>>, vector<16xf32>,
    tpu.vector_store %arg9[%swap3A_12, %swap3A_13], %broadcast_in_dim3A_3 {strides = array<i32>} : memref<8x16xf32, #tpu.memory_space<vmem>>, vector<16xf32>,
    %swap3A_15 = arith.constant 3 : i32
    %swap3A_16 = arith.index_cast %swap3A_15 : i32 to index
    %swap3A_17 = arith.constant 0 : index
    %swap3A_18 = tpu.vector_load %arg9[%swap3A_16, %swap3A_17] {strides = array<i32>} : memref<8x16xf32, #tpu.memory_space<vmem>>, vector<16xf32>,
    tpu.vector_store %arg9[%swap3A_16, %swap3A_17], %broadcast_in_dim3A_3 {strides = array<i32>} : memref<8x16xf32, #tpu.memory_space<vmem>>, vector<16xf32>,
    %swap3A_19 = arith.constant 4 : i32
    %swap3A_20 = arith.index_cast %swap3A_19 : i32 to index
    %swap3A_21 = arith.constant 0 : index
    %swap3A_22 = tpu.vector_load %arg9[%swap3A_20, %swap3A_21] {strides = array<i32>} : memref<8x16xf32, #tpu.memory_space<vmem>>, vector<16xf32>,
    tpu.vector_store %arg9[%swap3A_20, %swap3A_21], %broadcast_in_dim3A_3 {strides = array<i32>} : memref<8x16xf32, #tpu.memory_space<vmem>>, vector<16xf32>,
    %swap3A_23 = arith.constant 5 : i32
    %swap3A_24 = arith.index_cast %swap3A_23 : i32 to index
    %swap3A_25 = arith.constant 0 : index
    %swap3A_26 = tpu.vector_load %arg9[%swap3A_24, %swap3A_25] {strides = array<i32>} : memref<8x16xf32, #tpu.memory_space<vmem>>, vector<16xf32>,
    tpu.vector_store %arg9[%swap3A_24, %swap3A_25], %broadcast_in_dim3A_3 {strides = array<i32>} : memref<8x16xf32, #tpu.memory_space<vmem>>, vector<16xf32>,
    %swap3A_27 = arith.constant 6 : i32
    %swap3A_28 = arith.index_cast %swap3A_27 : i32 to index
    %swap3A_29 = arith.constant 0 : index
    %swap3A_30 = tpu.vector_load %arg9[%swap3A_28, %swap3A_29] {strides = array<i32>} : memref<8x16xf32, #tpu.memory_space<vmem>>, vector<16xf32>,
    tpu.vector_store %arg9[%swap3A_28, %swap3A_29], %broadcast_in_dim3A_3 {strides = array<i32>} : memref<8x16xf32, #tpu.memory_space<vmem>>, vector<16xf32>,
    %swap3A_31 = arith.constant 7 : i32
    %swap3A_32 = arith.index_cast %swap3A_31 : i32 to index
    %swap3A_33 = arith.constant 0 : index
    %swap3A_34 = tpu.vector_load %arg9[%swap3A_32, %swap3A_33] {strides = array<i32>} : memref<8x16xf32, #tpu.memory_space<vmem>>, vector<16xf32>,
    tpu.vector_store %arg9[%swap3A_32, %swap3A_33], %broadcast_in_dim3A_3 {strides = array<i32>} : memref<8x16xf32, #tpu.memory_space<vmem>>, vector<16xf32>,
    %scan3A = arith.constant 0 : i32
    %scan3A_35 = arith.constant 0 : i32
    %scan3A_36 = arith.constant 32 : i32
    %scan3A_37 = arith.addi %scan3A_35, %scan3A_36 : i32
    %scan3A_38 = arith.constant 1 : i32
    scf.for %scan3A_40 = %scan3A_35 to %scan3A_37 step %scan3A_38  : i32 {
      %mul3A_41 = arith.constant 16 : i32
      %mul3A_42 = arith.muli %scan3A_40, %mul3A_41 : i32
      %get3A = arith.constant 0 : i32
      %get3A_43 = arith.index_cast %get3A : i32 to index
      %get3A_44 = arith.index_cast %mul3A_42 : i32 to index
      %get3A_45 = tpu.vector_load %arg6[%get3A_43, %get3A_44] {strides = array<i32>} : memref<8x512xf32, #tpu.memory_space<vmem>>, vector<16xf32>,
      %get3A_46 = arith.constant 1 : i32
      %get3A_47 = arith.index_cast %get3A_46 : i32 to index
      %get3A_48 = arith.index_cast %mul3A_42 : i32 to index
      %get3A_49 = tpu.vector_load %arg6[%get3A_47, %get3A_48] {strides = array<i32>} : memref<8x512xf32, #tpu.memory_space<vmem>>, vector<16xf32>,
      %get3A_50 = arith.constant 2 : i32
      %get3A_51 = arith.index_cast %get3A_50 : i32 to index
      %get3A_52 = arith.index_cast %mul3A_42 : i32 to index
      %get3A_53 = tpu.vector_load %arg6[%get3A_51, %get3A_52] {strides = array<i32>} : memref<8x512xf32, #tpu.memory_space<vmem>>, vector<16xf32>,
      %get3A_54 = arith.constant 3 : i32
      %get3A_55 = arith.index_cast %get3A_54 : i32 to index
      %get3A_56 = arith.index_cast %mul3A_42 : i32 to index
      %get3A_57 = tpu.vector_load %arg6[%get3A_55, %get3A_56] {strides = array<i32>} : memref<8x512xf32, #tpu.memory_space<vmem>>, vector<16xf32>,
      %get3A_58 = arith.constant 4 : i32
      %get3A_59 = arith.index_cast %get3A_58 : i32 to index
      %get3A_60 = arith.index_cast %mul3A_42 : i32 to index
      %get3A_61 = tpu.vector_load %arg6[%get3A_59, %get3A_60] {strides = array<i32>} : memref<8x512xf32, #tpu.memory_space<vmem>>, vector<16xf32>,
      %get3A_62 = arith.constant 5 : i32
      %get3A_63 = arith.index_cast %get3A_62 : i32 to index
      %get3A_64 = arith.index_cast %mul3A_42 : i32 to index
      %get3A_65 = tpu.vector_load %arg6[%get3A_63, %get3A_64] {strides = array<i32>} : memref<8x512xf32, #tpu.memory_space<vmem>>, vector<16xf32>,
      %get3A_66 = arith.constant 6 : i32
      %get3A_67 = arith.index_cast %get3A_66 : i32 to index
      %get3A_68 = arith.index_cast %mul3A_42 : i32 to index
      %get3A_69 = tpu.vector_load %arg6[%get3A_67, %get3A_68] {strides = array<i32>} : memref<8x512xf32, #tpu.memory_space<vmem>>, vector<16xf32>,
      %get3A_70 = arith.constant 7 : i32
      %get3A_71 = arith.index_cast %get3A_70 : i32 to index
      %get3A_72 = arith.index_cast %mul3A_42 : i32 to index
      %get3A_73 = tpu.vector_load %arg6[%get3A_71, %get3A_72] {strides = array<i32>} : memref<8x512xf32, #tpu.memory_space<vmem>>, vector<16xf32>,
      %max3A = arith.maximumf %get3A_45, %get3A_49 : vector<16xf32>
      %max3A_74 = arith.maximumf %max3A, %get3A_53 : vector<16xf32>
      %max3A_75 = arith.maximumf %max3A_74, %get3A_57 : vector<16xf32>
      %max3A_76 = arith.maximumf %max3A_75, %get3A_61 : vector<16xf32>
      %max3A_77 = arith.maximumf %max3A_76, %get3A_65 : vector<16xf32>
      %max3A_78 = arith.maximumf %max3A_77, %get3A_69 : vector<16xf32>
      %max3A_79 = arith.maximumf %max3A_78, %get3A_73 : vector<16xf32>
      %broadcast_in_dim3A_80 = arith.constant 7 : i32
      %broadcast_in_dim3A_81 = vector.broadcast %broadcast_in_dim3A_80 : i32 to vector<16xi32>
      %eq3A = arith.cmpf oeq, %get3A_69, %max3A_79 : vector<16xf32>
      %jit3A = arith.constant 6 : i32
      %broadcast_in_dim3A_82 = vector.broadcast %jit3A : i32 to vector<16xi32>
      %select_n3A = arith.select %eq3A, %broadcast_in_dim3A_82, %broadcast_in_dim3A_81 : vector<16xi1>, vector<16xi32>
      %eq3A_83 = arith.cmpf oeq, %get3A_65, %max3A_79 : vector<16xf32>
      %jit3A_84 = arith.constant 5 : i32
      %broadcast_in_dim3A_85 = vector.broadcast %jit3A_84 : i32 to vector<16xi32>
      %select_n3A_86 = arith.select %eq3A_83, %broadcast_in_dim3A_85, %select_n3A : vector<16xi1>, vector<16xi32>
      %eq3A_87 = arith.cmpf oeq, %get3A_61, %max3A_79 : vector<16xf32>
      %jit3A_88 = arith.constant 4 : i32
      %broadcast_in_dim3A_89 = vector.broadcast %jit3A_88 : i32 to vector<16xi32>
      %select_n3A_90 = arith.select %eq3A_87, %broadcast_in_dim3A_89, %select_n3A_86 : vector<16xi1>, vector<16xi32>
      %eq3A_91 = arith.cmpf oeq, %get3A_57, %max3A_79 : vector<16xf32>
      %jit3A_92 = arith.constant 3 : i32
      %broadcast_in_dim3A_93 = vector.broadcast %jit3A_92 : i32 to vector<16xi32>
      %select_n3A_94 = arith.select %eq3A_91, %broadcast_in_dim3A_93, %select_n3A_90 : vector<16xi1>, vector<16xi32>
      %eq3A_95 = arith.cmpf oeq, %get3A_53, %max3A_79 : vector<16xf32>
      %jit3A_96 = arith.constant 2 : i32
      %broadcast_in_dim3A_97 = vector.broadcast %jit3A_96 : i32 to vector<16xi32>
      %select_n3A_98 = arith.select %eq3A_95, %broadcast_in_dim3A_97, %select_n3A_94 : vector<16xi1>, vector<16xi32>
      %eq3A_99 = arith.cmpf oeq, %get3A_49, %max3A_79 : vector<16xf32>
      %jit3A_100 = arith.constant 1 : i32
      %broadcast_in_dim3A_101 = vector.broadcast %jit3A_100 : i32 to vector<16xi32>
      %select_n3A_102 = arith.select %eq3A_99, %broadcast_in_dim3A_101, %select_n3A_98 : vector<16xi1>, vector<16xi32>
      %eq3A_103 = arith.cmpf oeq, %get3A_45, %max3A_79 : vector<16xf32>
      %jit3A_104 = arith.constant 0 : i32
      %broadcast_in_dim3A_105 = vector.broadcast %jit3A_104 : i32 to vector<16xi32>
      %select_n3A_106 = arith.select %eq3A_103, %broadcast_in_dim3A_105, %select_n3A_102 : vector<16xi1>, vector<16xi32>
      %eq3A_107 = arith.constant 0 : i32
      %eq3A_108 = vector.broadcast %eq3A_107 : i32 to vector<16xi32>
      %eq3A_109 = arith.cmpi eq, %select_n3A_106, %eq3A_108 : vector<16xi32>
      %jit3A_110 = arith.constant -1.000000e+30 : f32
      %broadcast_in_dim3A_111 = vector.broadcast %jit3A_110 : f32 to vector<16xf32>
      %select_n3A_112 = arith.select %eq3A_109, %broadcast_in_dim3A_111, %get3A_45 : vector<16xi1>, vector<16xf32>
      %eq3A_113 = arith.constant 1 : i32
      %eq3A_114 = vector.broadcast %eq3A_113 : i32 to vector<16xi32>
      %eq3A_115 = arith.cmpi eq, %select_n3A_106, %eq3A_114 : vector<16xi32>
      %jit3A_116 = arith.constant -1.000000e+30 : f32
      %broadcast_in_dim3A_117 = vector.broadcast %jit3A_116 : f32 to vector<16xf32>
      %select_n3A_118 = arith.select %eq3A_115, %broadcast_in_dim3A_117, %get3A_49 : vector<16xi1>, vector<16xf32>
      %eq3A_119 = arith.constant 2 : i32
      %eq3A_120 = vector.broadcast %eq3A_119 : i32 to vector<16xi32>
      %eq3A_121 = arith.cmpi eq, %select_n3A_106, %eq3A_120 : vector<16xi32>
      %jit3A_122 = arith.constant -1.000000e+30 : f32
      %broadcast_in_dim3A_123 = vector.broadcast %jit3A_122 : f32 to vector<16xf32>
      %select_n3A_124 = arith.select %eq3A_121, %broadcast_in_dim3A_123, %get3A_53 : vector<16xi1>, vector<16xf32>
      %eq3A_125 = arith.constant 3 : i32
      %eq3A_126 = vector.broadcast %eq3A_125 : i32 to vector<16xi32>
      %eq3A_127 = arith.cmpi eq, %select_n3A_106, %eq3A_126 : vector<16xi32>
      %jit3A_128 = arith.constant -1.000000e+30 : f32
      %broadcast_in_dim3A_129 = vector.broadcast %jit3A_128 : f32 to vector<16xf32>
      %select_n3A_130 = arith.select %eq3A_127, %broadcast_in_dim3A_129, %get3A_57 : vector<16xi1>, vector<16xf32>
      %eq3A_131 = arith.constant 4 : i32
      %eq3A_132 = vector.broadcast %eq3A_131 : i32 to vector<16xi32>
      %eq3A_133 = arith.cmpi eq, %select_n3A_106, %eq3A_132 : vector<16xi32>
      %jit3A_134 = arith.constant -1.000000e+30 : f32
      %broadcast_in_dim3A_135 = vector.broadcast %jit3A_134 : f32 to vector<16xf32>
      %select_n3A_136 = arith.select %eq3A_133, %broadcast_in_dim3A_135, %get3A_61 : vector<16xi1>, vector<16xf32>
      %eq3A_137 = arith.constant 5 : i32
      %eq3A_138 = vector.broadcast %eq3A_137 : i32 to vector<16xi32>
      %eq3A_139 = arith.cmpi eq, %select_n3A_106, %eq3A_138 : vector<16xi32>
      %jit3A_140 = arith.constant -1.000000e+30 : f32
      %broadcast_in_dim3A_141 = vector.broadcast %jit3A_140 : f32 to vector<16xf32>
      %select_n3A_142 = arith.select %eq3A_139, %broadcast_in_dim3A_141, %get3A_65 : vector<16xi1>, vector<16xf32>
      %eq3A_143 = arith.constant 6 : i32
      %eq3A_144 = vector.broadcast %eq3A_143 : i32 to vector<16xi32>
      %eq3A_145 = arith.cmpi eq, %select_n3A_106, %eq3A_144 : vector<16xi32>
      %jit3A_146 = arith.constant -1.000000e+30 : f32
      %broadcast_in_dim3A_147 = vector.broadcast %jit3A_146 : f32 to vector<16xf32>
      %select_n3A_148 = arith.select %eq3A_145, %broadcast_in_dim3A_147, %get3A_69 : vector<16xi1>, vector<16xf32>
      %eq3A_149 = arith.constant 7 : i32
      %eq3A_150 = vector.broadcast %eq3A_149 : i32 to vector<16xi32>
      %eq3A_151 = arith.cmpi eq, %select_n3A_106, %eq3A_150 : vector<16xi32>
      %jit3A_152 = arith.constant -1.000000e+30 : f32
      %broadcast_in_dim3A_153 = vector.broadcast %jit3A_152 : f32 to vector<16xf32>
      %select_n3A_154 = arith.select %eq3A_151, %broadcast_in_dim3A_153, %get3A_73 : vector<16xi1>, vector<16xf32>
      %max3A_155 = arith.maximumf %select_n3A_112, %select_n3A_118 : vector<16xf32>
      %max3A_156 = arith.maximumf %max3A_155, %select_n3A_124 : vector<16xf32>
      %max3A_157 = arith.maximumf %max3A_156, %select_n3A_130 : vector<16xf32>
      %max3A_158 = arith.maximumf %max3A_157, %select_n3A_136 : vector<16xf32>
      %max3A_159 = arith.maximumf %max3A_158, %select_n3A_142 : vector<16xf32>
      %max3A_160 = arith.maximumf %max3A_159, %select_n3A_148 : vector<16xf32>
      %max3A_161 = arith.maximumf %max3A_160, %select_n3A_154 : vector<16xf32>
      %broadcast_in_dim3A_162 = arith.constant 7 : i32
      %broadcast_in_dim3A_163 = vector.broadcast %broadcast_in_dim3A_162 : i32 to vector<16xi32>
      %eq3A_164 = arith.cmpf oeq, %select_n3A_148, %max3A_161 : vector<16xf32>
      %jit3A_165 = arith.constant 6 : i32
      %broadcast_in_dim3A_166 = vector.broadcast %jit3A_165 : i32 to vector<16xi32>
      %select_n3A_167 = arith.select %eq3A_164, %broadcast_in_dim3A_166, %broadcast_in_dim3A_163 : vector<16xi1>, vector<16xi32>
      %eq3A_168 = arith.cmpf oeq, %select_n3A_142, %max3A_161 : vector<16xf32>
      %jit3A_169 = arith.constant 5 : i32
      %broadcast_in_dim3A_170 = vector.broadcast %jit3A_169 : i32 to vector<16xi32>
      %select_n3A_171 = arith.select %eq3A_168, %broadcast_in_dim3A_170, %select_n3A_167 : vector<16xi1>, vector<16xi32>
      %eq3A_172 = arith.cmpf oeq, %select_n3A_136, %max3A_161 : vector<16xf32>
      %jit3A_173 = arith.constant 4 : i32
      %broadcast_in_dim3A_174 = vector.broadcast %jit3A_173 : i32 to vector<16xi32>
      %select_n3A_175 = arith.select %eq3A_172, %broadcast_in_dim3A_174, %select_n3A_171 : vector<16xi1>, vector<16xi32>
      %eq3A_176 = arith.cmpf oeq, %select_n3A_130, %max3A_161 : vector<16xf32>
      %jit3A_177 = arith.constant 3 : i32
      %broadcast_in_dim3A_178 = vector.broadcast %jit3A_177 : i32 to vector<16xi32>
      %select_n3A_179 = arith.select %eq3A_176, %broadcast_in_dim3A_178, %select_n3A_175 : vector<16xi1>, vector<16xi32>
      %eq3A_180 = arith.cmpf oeq, %select_n3A_124, %max3A_161 : vector<16xf32>
      %jit3A_181 = arith.constant 2 : i32
      %broadcast_in_dim3A_182 = vector.broadcast %jit3A_181 : i32 to vector<16xi32>
      %select_n3A_183 = arith.select %eq3A_180, %broadcast_in_dim3A_182, %select_n3A_179 : vector<16xi1>, vector<16xi32>
      %eq3A_184 = arith.cmpf oeq, %select_n3A_118, %max3A_161 : vector<16xf32>
      %jit3A_185 = arith.constant 1 : i32
      %broadcast_in_dim3A_186 = vector.broadcast %jit3A_185 : i32 to vector<16xi32>
      %select_n3A_187 = arith.select %eq3A_184, %broadcast_in_dim3A_186, %select_n3A_183 : vector<16xi1>, vector<16xi32>
      %eq3A_188 = arith.cmpf oeq, %select_n3A_112, %max3A_161 : vector<16xf32>
      %jit3A_189 = arith.constant 0 : i32
      %broadcast_in_dim3A_190 = vector.broadcast %jit3A_189 : i32 to vector<16xi32>
      %select_n3A_191 = arith.select %eq3A_188, %broadcast_in_dim3A_190, %select_n3A_187 : vector<16xi1>, vector<16xi32>
      %sub3A = arith.subf %max3A_161, %max3A_79 : vector<16xf32>
      %exp3A = math.exp %sub3A : vector<16xf32>
      %add3A_192 = arith.constant 1.000000e+00 : f32
      %add3A_193 = vector.broadcast %add3A_192 : f32 to vector<16xf32>
      %add3A_194 = arith.addf %add3A_193, %exp3A : vector<16xf32>
      %div3A = arith.constant 1.000000e+00 : f32
      %div3A_195 = vector.broadcast %div3A : f32 to vector<16xf32>
      %div3A_196 = arith.divf %div3A_195, %add3A_194 : vector<16xf32>
      %mul3A_197 = arith.mulf %exp3A, %div3A_196 : vector<16xf32>
      %eq3A_198 = arith.constant 0 : i32
      %eq3A_199 = vector.broadcast %eq3A_198 : i32 to vector<16xi32>
      %eq3A_200 = arith.cmpi eq, %select_n3A_106, %eq3A_199 : vector<16xi32>
      %eq3A_201 = arith.constant 0 : i32
      %eq3A_202 = vector.broadcast %eq3A_201 : i32 to vector<16xi32>
      %eq3A_203 = arith.cmpi eq, %select_n3A_191, %eq3A_202 : vector<16xi32>
      %jit3A_204 = arith.constant 0.000000e+00 : f32
      %broadcast_in_dim3A_205 = vector.broadcast %jit3A_204 : f32 to vector<16xf32>
      %select_n3A_206 = arith.select %eq3A_203, %mul3A_197, %broadcast_in_dim3A_205 : vector<16xi1>, vector<16xf32>
      %select_n3A_207 = arith.select %eq3A_200, %div3A_196, %select_n3A_206 : vector<16xi1>, vector<16xf32>
      %swap3A_208 = arith.constant 0 : i32
      %swap3A_209 = arith.index_cast %swap3A_208 : i32 to index
      %swap3A_210 = arith.index_cast %mul3A_42 : i32 to index
      %swap3A_211 = tpu.vector_load %arg7[%swap3A_209, %swap3A_210] {strides = array<i32>} : memref<8x512xf32, #tpu.memory_space<vmem>>, vector<16xf32>,
      tpu.vector_store %arg7[%swap3A_209, %swap3A_210], %select_n3A_207 {strides = array<i32>} : memref<8x512xf32, #tpu.memory_space<vmem>>, vector<16xf32>,
      %swap3A_212 = arith.constant 0 : i32
      %swap3A_213 = arith.index_cast %swap3A_212 : i32 to index
      %swap3A_214 = arith.constant 0 : index
      %swap3A_215 = tpu.vector_load %arg9[%swap3A_213, %swap3A_214] {strides = array<i32>} : memref<8x16xf32, #tpu.memory_space<vmem>>, vector<16xf32>,
      tpu.vector_store %arg9[%swap3A_213, %swap3A_214], %select_n3A_207 {add = true, strides = array<i32>} : memref<8x16xf32, #tpu.memory_space<vmem>>, vector<16xf32>,
      %eq3A_216 = arith.constant 1 : i32
      %eq3A_217 = vector.broadcast %eq3A_216 : i32 to vector<16xi32>
      %eq3A_218 = arith.cmpi eq, %select_n3A_106, %eq3A_217 : vector<16xi32>
      %eq3A_219 = arith.constant 1 : i32
      %eq3A_220 = vector.broadcast %eq3A_219 : i32 to vector<16xi32>
      %eq3A_221 = arith.cmpi eq, %select_n3A_191, %eq3A_220 : vector<16xi32>
      %jit3A_222 = arith.constant 0.000000e+00 : f32
      %broadcast_in_dim3A_223 = vector.broadcast %jit3A_222 : f32 to vector<16xf32>
      %select_n3A_224 = arith.select %eq3A_221, %mul3A_197, %broadcast_in_dim3A_223 : vector<16xi1>, vector<16xf32>
      %select_n3A_225 = arith.select %eq3A_218, %div3A_196, %select_n3A_224 : vector<16xi1>, vector<16xf32>
      %swap3A_226 = arith.constant 1 : i32
      %swap3A_227 = arith.index_cast %swap3A_226 : i32 to index
      %swap3A_228 = arith.index_cast %mul3A_42 : i32 to index
      %swap3A_229 = tpu.vector_load %arg7[%swap3A_227, %swap3A_228] {strides = array<i32>} : memref<8x512xf32, #tpu.memory_space<vmem>>, vector<16xf32>,
      tpu.vector_store %arg7[%swap3A_227, %swap3A_228], %select_n3A_225 {strides = array<i32>} : memref<8x512xf32, #tpu.memory_space<vmem>>, vector<16xf32>,
      %swap3A_230 = arith.constant 1 : i32
      %swap3A_231 = arith.index_cast %swap3A_230 : i32 to index
      %swap3A_232 = arith.constant 0 : index
      %swap3A_233 = tpu.vector_load %arg9[%swap3A_231, %swap3A_232] {strides = array<i32>} : memref<8x16xf32, #tpu.memory_space<vmem>>, vector<16xf32>,
      tpu.vector_store %arg9[%swap3A_231, %swap3A_232], %select_n3A_225 {add = true, strides = array<i32>} : memref<8x16xf32, #tpu.memory_space<vmem>>, vector<16xf32>,
      %eq3A_234 = arith.constant 2 : i32
      %eq3A_235 = vector.broadcast %eq3A_234 : i32 to vector<16xi32>
      %eq3A_236 = arith.cmpi eq, %select_n3A_106, %eq3A_235 : vector<16xi32>
      %eq3A_237 = arith.constant 2 : i32
      %eq3A_238 = vector.broadcast %eq3A_237 : i32 to vector<16xi32>
      %eq3A_239 = arith.cmpi eq, %select_n3A_191, %eq3A_238 : vector<16xi32>
      %jit3A_240 = arith.constant 0.000000e+00 : f32
      %broadcast_in_dim3A_241 = vector.broadcast %jit3A_240 : f32 to vector<16xf32>
      %select_n3A_242 = arith.select %eq3A_239, %mul3A_197, %broadcast_in_dim3A_241 : vector<16xi1>, vector<16xf32>
      %select_n3A_243 = arith.select %eq3A_236, %div3A_196, %select_n3A_242 : vector<16xi1>, vector<16xf32>
      %swap3A_244 = arith.constant 2 : i32
      %swap3A_245 = arith.index_cast %swap3A_244 : i32 to index
      %swap3A_246 = arith.index_cast %mul3A_42 : i32 to index
      %swap3A_247 = tpu.vector_load %arg7[%swap3A_245, %swap3A_246] {strides = array<i32>} : memref<8x512xf32, #tpu.memory_space<vmem>>, vector<16xf32>,
      tpu.vector_store %arg7[%swap3A_245, %swap3A_246], %select_n3A_243 {strides = array<i32>} : memref<8x512xf32, #tpu.memory_space<vmem>>, vector<16xf32>,
      %swap3A_248 = arith.constant 2 : i32
      %swap3A_249 = arith.index_cast %swap3A_248 : i32 to index
      %swap3A_250 = arith.constant 0 : index
      %swap3A_251 = tpu.vector_load %arg9[%swap3A_249, %swap3A_250] {strides = array<i32>} : memref<8x16xf32, #tpu.memory_space<vmem>>, vector<16xf32>,
      tpu.vector_store %arg9[%swap3A_249, %swap3A_250], %select_n3A_243 {add = true, strides = array<i32>} : memref<8x16xf32, #tpu.memory_space<vmem>>, vector<16xf32>,
      %eq3A_252 = arith.constant 3 : i32
      %eq3A_253 = vector.broadcast %eq3A_252 : i32 to vector<16xi32>
      %eq3A_254 = arith.cmpi eq, %select_n3A_106, %eq3A_253 : vector<16xi32>
      %eq3A_255 = arith.constant 3 : i32
      %eq3A_256 = vector.broadcast %eq3A_255 : i32 to vector<16xi32>
      %eq3A_257 = arith.cmpi eq, %select_n3A_191, %eq3A_256 : vector<16xi32>
      %jit3A_258 = arith.constant 0.000000e+00 : f32
      %broadcast_in_dim3A_259 = vector.broadcast %jit3A_258 : f32 to vector<16xf32>
      %select_n3A_260 = arith.select %eq3A_257, %mul3A_197, %broadcast_in_dim3A_259 : vector<16xi1>, vector<16xf32>
      %select_n3A_261 = arith.select %eq3A_254, %div3A_196, %select_n3A_260 : vector<16xi1>, vector<16xf32>
      %swap3A_262 = arith.constant 3 : i32
      %swap3A_263 = arith.index_cast %swap3A_262 : i32 to index
      %swap3A_264 = arith.index_cast %mul3A_42 : i32 to index
      %swap3A_265 = tpu.vector_load %arg7[%swap3A_263, %swap3A_264] {strides = array<i32>} : memref<8x512xf32, #tpu.memory_space<vmem>>, vector<16xf32>,
      tpu.vector_store %arg7[%swap3A_263, %swap3A_264], %select_n3A_261 {strides = array<i32>} : memref<8x512xf32, #tpu.memory_space<vmem>>, vector<16xf32>,
      %swap3A_266 = arith.constant 3 : i32
      %swap3A_267 = arith.index_cast %swap3A_266 : i32 to index
      %swap3A_268 = arith.constant 0 : index
      %swap3A_269 = tpu.vector_load %arg9[%swap3A_267, %swap3A_268] {strides = array<i32>} : memref<8x16xf32, #tpu.memory_space<vmem>>, vector<16xf32>,
      tpu.vector_store %arg9[%swap3A_267, %swap3A_268], %select_n3A_261 {add = true, strides = array<i32>} : memref<8x16xf32, #tpu.memory_space<vmem>>, vector<16xf32>,
      %eq3A_270 = arith.constant 4 : i32
      %eq3A_271 = vector.broadcast %eq3A_270 : i32 to vector<16xi32>
      %eq3A_272 = arith.cmpi eq, %select_n3A_106, %eq3A_271 : vector<16xi32>
      %eq3A_273 = arith.constant 4 : i32
      %eq3A_274 = vector.broadcast %eq3A_273 : i32 to vector<16xi32>
      %eq3A_275 = arith.cmpi eq, %select_n3A_191, %eq3A_274 : vector<16xi32>
      %jit3A_276 = arith.constant 0.000000e+00 : f32
      %broadcast_in_dim3A_277 = vector.broadcast %jit3A_276 : f32 to vector<16xf32>
      %select_n3A_278 = arith.select %eq3A_275, %mul3A_197, %broadcast_in_dim3A_277 : vector<16xi1>, vector<16xf32>
      %select_n3A_279 = arith.select %eq3A_272, %div3A_196, %select_n3A_278 : vector<16xi1>, vector<16xf32>
      %swap3A_280 = arith.constant 4 : i32
      %swap3A_281 = arith.index_cast %swap3A_280 : i32 to index
      %swap3A_282 = arith.index_cast %mul3A_42 : i32 to index
      %swap3A_283 = tpu.vector_load %arg7[%swap3A_281, %swap3A_282] {strides = array<i32>} : memref<8x512xf32, #tpu.memory_space<vmem>>, vector<16xf32>,
      tpu.vector_store %arg7[%swap3A_281, %swap3A_282], %select_n3A_279 {strides = array<i32>} : memref<8x512xf32, #tpu.memory_space<vmem>>, vector<16xf32>,
      %swap3A_284 = arith.constant 4 : i32
      %swap3A_285 = arith.index_cast %swap3A_284 : i32 to index
      %swap3A_286 = arith.constant 0 : index
      %swap3A_287 = tpu.vector_load %arg9[%swap3A_285, %swap3A_286] {strides = array<i32>} : memref<8x16xf32, #tpu.memory_space<vmem>>, vector<16xf32>,
      tpu.vector_store %arg9[%swap3A_285, %swap3A_286], %select_n3A_279 {add = true, strides = array<i32>} : memref<8x16xf32, #tpu.memory_space<vmem>>, vector<16xf32>,
      %eq3A_288 = arith.constant 5 : i32
      %eq3A_289 = vector.broadcast %eq3A_288 : i32 to vector<16xi32>
      %eq3A_290 = arith.cmpi eq, %select_n3A_106, %eq3A_289 : vector<16xi32>
      %eq3A_291 = arith.constant 5 : i32
      %eq3A_292 = vector.broadcast %eq3A_291 : i32 to vector<16xi32>
      %eq3A_293 = arith.cmpi eq, %select_n3A_191, %eq3A_292 : vector<16xi32>
      %jit3A_294 = arith.constant 0.000000e+00 : f32
      %broadcast_in_dim3A_295 = vector.broadcast %jit3A_294 : f32 to vector<16xf32>
      %select_n3A_296 = arith.select %eq3A_293, %mul3A_197, %broadcast_in_dim3A_295 : vector<16xi1>, vector<16xf32>
      %select_n3A_297 = arith.select %eq3A_290, %div3A_196, %select_n3A_296 : vector<16xi1>, vector<16xf32>
      %swap3A_298 = arith.constant 5 : i32
      %swap3A_299 = arith.index_cast %swap3A_298 : i32 to index
      %swap3A_300 = arith.index_cast %mul3A_42 : i32 to index
      %swap3A_301 = tpu.vector_load %arg7[%swap3A_299, %swap3A_300] {strides = array<i32>} : memref<8x512xf32, #tpu.memory_space<vmem>>, vector<16xf32>,
      tpu.vector_store %arg7[%swap3A_299, %swap3A_300], %select_n3A_297 {strides = array<i32>} : memref<8x512xf32, #tpu.memory_space<vmem>>, vector<16xf32>,
      %swap3A_302 = arith.constant 5 : i32
      %swap3A_303 = arith.index_cast %swap3A_302 : i32 to index
      %swap3A_304 = arith.constant 0 : index
      %swap3A_305 = tpu.vector_load %arg9[%swap3A_303, %swap3A_304] {strides = array<i32>} : memref<8x16xf32, #tpu.memory_space<vmem>>, vector<16xf32>,
      tpu.vector_store %arg9[%swap3A_303, %swap3A_304], %select_n3A_297 {add = true, strides = array<i32>} : memref<8x16xf32, #tpu.memory_space<vmem>>, vector<16xf32>,
      %eq3A_306 = arith.constant 6 : i32
      %eq3A_307 = vector.broadcast %eq3A_306 : i32 to vector<16xi32>
      %eq3A_308 = arith.cmpi eq, %select_n3A_106, %eq3A_307 : vector<16xi32>
      %eq3A_309 = arith.constant 6 : i32
      %eq3A_310 = vector.broadcast %eq3A_309 : i32 to vector<16xi32>
      %eq3A_311 = arith.cmpi eq, %select_n3A_191, %eq3A_310 : vector<16xi32>
      %jit3A_312 = arith.constant 0.000000e+00 : f32
      %broadcast_in_dim3A_313 = vector.broadcast %jit3A_312 : f32 to vector<16xf32>
      %select_n3A_314 = arith.select %eq3A_311, %mul3A_197, %broadcast_in_dim3A_313 : vector<16xi1>, vector<16xf32>
      %select_n3A_315 = arith.select %eq3A_308, %div3A_196, %select_n3A_314 : vector<16xi1>, vector<16xf32>
      %swap3A_316 = arith.constant 6 : i32
      %swap3A_317 = arith.index_cast %swap3A_316 : i32 to index
      %swap3A_318 = arith.index_cast %mul3A_42 : i32 to index
      %swap3A_319 = tpu.vector_load %arg7[%swap3A_317, %swap3A_318] {strides = array<i32>} : memref<8x512xf32, #tpu.memory_space<vmem>>, vector<16xf32>,
      tpu.vector_store %arg7[%swap3A_317, %swap3A_318], %select_n3A_315 {strides = array<i32>} : memref<8x512xf32, #tpu.memory_space<vmem>>, vector<16xf32>,
      %swap3A_320 = arith.constant 6 : i32
      %swap3A_321 = arith.index_cast %swap3A_320 : i32 to index
      %swap3A_322 = arith.constant 0 : index
      %swap3A_323 = tpu.vector_load %arg9[%swap3A_321, %swap3A_322] {strides = array<i32>} : memref<8x16xf32, #tpu.memory_space<vmem>>, vector<16xf32>,
      tpu.vector_store %arg9[%swap3A_321, %swap3A_322], %select_n3A_315 {add = true, strides = array<i32>} : memref<8x16xf32, #tpu.memory_space<vmem>>, vector<16xf32>,
      %eq3A_324 = arith.constant 7 : i32
      %eq3A_325 = vector.broadcast %eq3A_324 : i32 to vector<16xi32>
      %eq3A_326 = arith.cmpi eq, %select_n3A_106, %eq3A_325 : vector<16xi32>
      %eq3A_327 = arith.constant 7 : i32
      %eq3A_328 = vector.broadcast %eq3A_327 : i32 to vector<16xi32>
      %eq3A_329 = arith.cmpi eq, %select_n3A_191, %eq3A_328 : vector<16xi32>
      %jit3A_330 = arith.constant 0.000000e+00 : f32
      %broadcast_in_dim3A_331 = vector.broadcast %jit3A_330 : f32 to vector<16xf32>
      %select_n3A_332 = arith.select %eq3A_329, %mul3A_197, %broadcast_in_dim3A_331 : vector<16xi1>, vector<16xf32>
      %select_n3A_333 = arith.select %eq3A_326, %div3A_196, %select_n3A_332 : vector<16xi1>, vector<16xf32>
      %swap3A_334 = arith.constant 7 : i32
      %swap3A_335 = arith.index_cast %swap3A_334 : i32 to index
      %swap3A_336 = arith.index_cast %mul3A_42 : i32 to index
      %swap3A_337 = tpu.vector_load %arg7[%swap3A_335, %swap3A_336] {strides = array<i32>} : memref<8x512xf32, #tpu.memory_space<vmem>>, vector<16xf32>,
      tpu.vector_store %arg7[%swap3A_335, %swap3A_336], %select_n3A_333 {strides = array<i32>} : memref<8x512xf32, #tpu.memory_space<vmem>>, vector<16xf32>,
      %swap3A_338 = arith.constant 7 : i32
      %swap3A_339 = arith.index_cast %swap3A_338 : i32 to index
      %swap3A_340 = arith.constant 0 : index
      %swap3A_341 = tpu.vector_load %arg9[%swap3A_339, %swap3A_340] {strides = array<i32>} : memref<8x16xf32, #tpu.memory_space<vmem>>, vector<16xf32>,
      tpu.vector_store %arg9[%swap3A_339, %swap3A_340], %select_n3A_333 {add = true, strides = array<i32>} : memref<8x16xf32, #tpu.memory_space<vmem>>, vector<16xf32>,
      %swap3A_342 = arith.constant 0 : i32
      %swap3A_343 = arith.index_cast %swap3A_342 : i32 to index
      %swap3A_344 = arith.index_cast %mul3A_42 : i32 to index
      %swap3A_345 = tpu.vector_load %arg8[%swap3A_343, %swap3A_344] {strides = array<i32>} : memref<2x512xi32, #tpu.memory_space<vmem>>, vector<16xi32>,
      tpu.vector_store %arg8[%swap3A_343, %swap3A_344], %select_n3A_106 {strides = array<i32>} : memref<2x512xi32, #tpu.memory_space<vmem>>, vector<16xi32>,
      %swap3A_346 = arith.constant 1 : i32
      %swap3A_347 = arith.index_cast %swap3A_346 : i32 to index
      %swap3A_348 = arith.index_cast %mul3A_42 : i32 to index
      %swap3A_349 = tpu.vector_load %arg8[%swap3A_347, %swap3A_348] {strides = array<i32>} : memref<2x512xi32, #tpu.memory_space<vmem>>, vector<16xi32>,
      tpu.vector_store %arg8[%swap3A_347, %swap3A_348], %select_n3A_191 {strides = array<i32>} : memref<2x512xi32, #tpu.memory_space<vmem>>, vector<16xi32>,
    }
    %scan3A_39 = arith.constant 32 : i32
    "tpu.region"() ({
      %run_scoped3A = tpu.sem_alloc : memref<!tpu.dma_semaphore, #tpu.memory_space<semaphore_mem>>
      %dma_start3A = arith.constant 0 : i32
      %dma_start3A_40 = tpu.memref_slice %arg3[%dma_start3A, %mul3A_2] : memref<8x16384xf32, #tpu.memory_space<hbm>> -> memref<8x512xf32, #tpu.memory_space<hbm>>
      %dma_start3A_41 = arith.constant 0 : i32
      %dma_start3A_42 = tpu.memref_slice %arg3[%dma_start3A_41, %mul3A_2] : memref<8x16384xf32, #tpu.memory_space<hbm>> -> memref<8x512xf32, #tpu.memory_space<hbm>>
      tpu.enqueue_dma source(%arg7 : memref<8x512xf32, #tpu.memory_space<vmem>>) target(%dma_start3A_42 : memref<8x512xf32, #tpu.memory_space<hbm>>) target_semaphore(%run_scoped3A : memref<!tpu.dma_semaphore, #tpu.memory_space<semaphore_mem>>)
      %dma_wait3A = arith.constant 0 : i32
      %dma_wait3A_43 = tpu.memref_slice %arg3[%dma_wait3A, %mul3A_2] : memref<8x16384xf32, #tpu.memory_space<hbm>> -> memref<8x512xf32, #tpu.memory_space<hbm>>
      %dma_wait3A_44 = arith.constant 0 : i32
      %dma_wait3A_45 = tpu.memref_slice %arg3[%dma_wait3A_44, %mul3A_2] : memref<8x16384xf32, #tpu.memory_space<hbm>> -> memref<8x512xf32, #tpu.memory_space<hbm>>
      tpu.wait_dma2 semaphore(%run_scoped3A : memref<!tpu.dma_semaphore, #tpu.memory_space<semaphore_mem>>) src(%arg7 : memref<8x512xf32, #tpu.memory_space<vmem>>) dst(%dma_wait3A_45 : memref<8x512xf32, #tpu.memory_space<hbm>>)
      tpu.yield
    }) : () -> ()
    "tpu.region"() ({
      %run_scoped3A = tpu.sem_alloc : memref<!tpu.dma_semaphore, #tpu.memory_space<semaphore_mem>>
      %dma_start3A = arith.constant 0 : i32
      %dma_start3A_40 = tpu.memref_slice %arg4[%dma_start3A, %mul3A_2] : memref<2x16384xi32, #tpu.memory_space<hbm>> -> memref<2x512xi32, #tpu.memory_space<hbm>>
      %dma_start3A_41 = arith.constant 0 : i32
      %dma_start3A_42 = tpu.memref_slice %arg4[%dma_start3A_41, %mul3A_2] : memref<2x16384xi32, #tpu.memory_space<hbm>> -> memref<2x512xi32, #tpu.memory_space<hbm>>
      tpu.enqueue_dma source(%arg8 : memref<2x512xi32, #tpu.memory_space<vmem>>) target(%dma_start3A_42 : memref<2x512xi32, #tpu.memory_space<hbm>>) target_semaphore(%run_scoped3A : memref<!tpu.dma_semaphore, #tpu.memory_space<semaphore_mem>>)
      %dma_wait3A = arith.constant 0 : i32
      %dma_wait3A_43 = tpu.memref_slice %arg4[%dma_wait3A, %mul3A_2] : memref<2x16384xi32, #tpu.memory_space<hbm>> -> memref<2x512xi32, #tpu.memory_space<hbm>>
      %dma_wait3A_44 = arith.constant 0 : i32
      %dma_wait3A_45 = tpu.memref_slice %arg4[%dma_wait3A_44, %mul3A_2] : memref<2x16384xi32, #tpu.memory_space<hbm>> -> memref<2x512xi32, #tpu.memory_space<hbm>>
      tpu.wait_dma2 semaphore(%run_scoped3A : memref<!tpu.dma_semaphore, #tpu.memory_space<semaphore_mem>>) src(%arg8 : memref<2x512xi32, #tpu.memory_space<vmem>>) dst(%dma_wait3A_45 : memref<2x512xi32, #tpu.memory_space<hbm>>)
      tpu.yield
    }) : () -> ()
    "tpu.region"() ({
      %run_scoped3A = tpu.sem_alloc : memref<!tpu.dma_semaphore, #tpu.memory_space<semaphore_mem>>
      %dma_start3A = arith.constant 0 : i32
      %dma_start3A_40 = arith.constant 0 : i32
      %dma_start3A_41 = tpu.memref_slice %arg5[%add3A, %dma_start3A, %dma_start3A_40] : memref<32x8x16xf32, #tpu.memory_space<hbm>> -> memref<1x8x16xf32, #tpu.memory_space<hbm>>
      %dma_start3A_42 = tpu.memref_squeeze %dma_start3A_41 : memref<1x8x16xf32, #tpu.memory_space<hbm>> -> memref<8x16xf32, #tpu.memory_space<hbm>>
      %dma_start3A_43 = arith.constant 0 : i32
      %dma_start3A_44 = arith.constant 0 : i32
      %dma_start3A_45 = tpu.memref_slice %arg5[%add3A, %dma_start3A_43, %dma_start3A_44] : memref<32x8x16xf32, #tpu.memory_space<hbm>> -> memref<1x8x16xf32, #tpu.memory_space<hbm>>
      %dma_start3A_46 = tpu.memref_squeeze %dma_start3A_45 : memref<1x8x16xf32, #tpu.memory_space<hbm>> -> memref<8x16xf32, #tpu.memory_space<hbm>>
      tpu.enqueue_dma source(%arg9 : memref<8x16xf32, #tpu.memory_space<vmem>>) target(%dma_start3A_46 : memref<8x16xf32, #tpu.memory_space<hbm>>) target_semaphore(%run_scoped3A : memref<!tpu.dma_semaphore, #tpu.memory_space<semaphore_mem>>)
      %dma_wait3A = arith.constant 0 : i32
      %dma_wait3A_47 = arith.constant 0 : i32
      %dma_wait3A_48 = tpu.memref_slice %arg5[%add3A, %dma_wait3A, %dma_wait3A_47] : memref<32x8x16xf32, #tpu.memory_space<hbm>> -> memref<1x8x16xf32, #tpu.memory_space<hbm>>
      %dma_wait3A_49 = tpu.memref_squeeze %dma_wait3A_48 : memref<1x8x16xf32, #tpu.memory_space<hbm>> -> memref<8x16xf32, #tpu.memory_space<hbm>>
      %dma_wait3A_50 = arith.constant 0 : i32
      %dma_wait3A_51 = arith.constant 0 : i32
      %dma_wait3A_52 = tpu.memref_slice %arg5[%add3A, %dma_wait3A_50, %dma_wait3A_51] : memref<32x8x16xf32, #tpu.memory_space<hbm>> -> memref<1x8x16xf32, #tpu.memory_space<hbm>>
      %dma_wait3A_53 = tpu.memref_squeeze %dma_wait3A_52 : memref<1x8x16xf32, #tpu.memory_space<hbm>> -> memref<8x16xf32, #tpu.memory_space<hbm>>
      tpu.wait_dma2 semaphore(%run_scoped3A : memref<!tpu.dma_semaphore, #tpu.memory_space<semaphore_mem>>) src(%arg9 : memref<8x16xf32, #tpu.memory_space<vmem>>) dst(%dma_wait3A_53 : memref<8x16xf32, #tpu.memory_space<hbm>>)
      tpu.yield
    }) : () -> ()
    return
  }
}

#map = affine_map<(d0, d1) -> (0, 0)>
#map1 = affine_map<(d0, d1) -> (0, 0, 0)>
module attributes {stable_mosaic.version = 14 : i64} {
  func.func @_route_body(%arg0: i32, %arg1: i32, %arg2: memref<8x16384xf32, #tpu.memory_space<hbm>>, %arg3: memref<8x16384xf32, #tpu.memory_space<hbm>>, %arg4: memref<2x16384xi32, #tpu.memory_space<hbm>>, %arg5: memref<32x8x16xf32, #tpu.memory_space<hbm>>, %arg6: memref<8x512xf32, #tpu.memory_space<vmem>>, %arg7: memref<8x512xf32, #tpu.memory_space<vmem>>, %arg8: memref<2x512xi32, #tpu.memory_space<vmem>>, %arg9: memref<8x16xf32, #tpu.memory_space<vmem>>) attributes {dimension_semantics = [#tpu.dimension_semantics<core_parallel>, #tpu.dimension_semantics<subcore_parallel>], iteration_bounds = array<i64: 2, 16>, scalar_prefetch = 0 : i64, scratch_operands = 4 : i64, tpu.core_type = #tpu.core_type<sc_vector_subcore>, window_params = [{transform_indices = #map}, {transform_indices = #map}, {transform_indices = #map}, {transform_indices = #map1}]} {
    %mul3A = arith.constant 2 : i32
    %mul3A_0 = arith.muli %arg1, %mul3A : i32
    %add3A = arith.addi %mul3A_0, %arg0 : i32
    %mul3A_1 = arith.constant 512 : i32
    %mul3A_2 = arith.muli %add3A, %mul3A_1 : i32
    "tpu.region"() ({
      %run_scoped3A = tpu.sem_alloc : memref<!tpu.dma_semaphore, #tpu.memory_space<semaphore_mem>>
      %dma_start3A = arith.constant 0 : i32
      %dma_start3A_40 = tpu.memref_slice %arg2[%dma_start3A, %mul3A_2] : memref<8x16384xf32, #tpu.memory_space<hbm>> -> memref<8x512xf32, #tpu.memory_space<hbm>>
      %dma_start3A_41 = arith.constant 0 : i32
      %dma_start3A_42 = tpu.memref_slice %arg2[%dma_start3A_41, %mul3A_2] : memref<8x16384xf32, #tpu.memory_space<hbm>> -> memref<8x512xf32, #tpu.memory_space<hbm>>
      tpu.enqueue_dma source(%dma_start3A_42 : memref<8x512xf32, #tpu.memory_space<hbm>>) target(%arg6 : memref<8x512xf32, #tpu.memory_space<vmem>>) target_semaphore(%run_scoped3A : memref<!tpu.dma_semaphore, #tpu.memory_space<semaphore_mem>>)
      %dma_wait3A = arith.constant 0 : i32
      %dma_wait3A_43 = tpu.memref_slice %arg2[%dma_wait3A, %mul3A_2] : memref<8x16384xf32, #tpu.memory_space<hbm>> -> memref<8x512xf32, #tpu.memory_space<hbm>>
      %dma_wait3A_44 = arith.constant 0 : i32
      %dma_wait3A_45 = tpu.memref_slice %arg2[%dma_wait3A_44, %mul3A_2] : memref<8x16384xf32, #tpu.memory_space<hbm>> -> memref<8x512xf32, #tpu.memory_space<hbm>>
      tpu.wait_dma2 semaphore(%run_scoped3A : memref<!tpu.dma_semaphore, #tpu.memory_space<semaphore_mem>>) src(%dma_wait3A_45 : memref<8x512xf32, #tpu.memory_space<hbm>>) dst(%arg6 : memref<8x512xf32, #tpu.memory_space<vmem>>)
      tpu.yield
    }) : () -> ()
    %broadcast_in_dim3A = arith.constant 0.000000e+00 : f32
    %broadcast_in_dim3A_3 = vector.broadcast %broadcast_in_dim3A : f32 to vector<16xf32>
    %swap3A = arith.constant 0 : i32
    %swap3A_4 = arith.index_cast %swap3A : i32 to index
    %swap3A_5 = arith.constant 0 : index
    %swap3A_6 = tpu.vector_load %arg9[%swap3A_4, %swap3A_5] {strides = array<i32>} : memref<8x16xf32, #tpu.memory_space<vmem>>, vector<16xf32>,
    tpu.vector_store %arg9[%swap3A_4, %swap3A_5], %broadcast_in_dim3A_3 {strides = array<i32>} : memref<8x16xf32, #tpu.memory_space<vmem>>, vector<16xf32>,
    %swap3A_7 = arith.constant 1 : i32
    %swap3A_8 = arith.index_cast %swap3A_7 : i32 to index
    %swap3A_9 = arith.constant 0 : index
    %swap3A_10 = tpu.vector_load %arg9[%swap3A_8, %swap3A_9] {strides = array<i32>} : memref<8x16xf32, #tpu.memory_space<vmem>>, vector<16xf32>,
    tpu.vector_store %arg9[%swap3A_8, %swap3A_9], %broadcast_in_dim3A_3 {strides = array<i32>} : memref<8x16xf32, #tpu.memory_space<vmem>>, vector<16xf32>,
    %swap3A_11 = arith.constant 2 : i32
    %swap3A_12 = arith.index_cast %swap3A_11 : i32 to index
    %swap3A_13 = arith.constant 0 : index
    %swap3A_14 = tpu.vector_load %arg9[%swap3A_12, %swap3A_13] {strides = array<i32>} : memref<8x16xf32, #tpu.memory_space<vmem>>, vector<16xf32>,
    tpu.vector_store %arg9[%swap3A_12, %swap3A_13], %broadcast_in_dim3A_3 {strides = array<i32>} : memref<8x16xf32, #tpu.memory_space<vmem>>, vector<16xf32>,
    %swap3A_15 = arith.constant 3 : i32
    %swap3A_16 = arith.index_cast %swap3A_15 : i32 to index
    %swap3A_17 = arith.constant 0 : index
    %swap3A_18 = tpu.vector_load %arg9[%swap3A_16, %swap3A_17] {strides = array<i32>} : memref<8x16xf32, #tpu.memory_space<vmem>>, vector<16xf32>,
    tpu.vector_store %arg9[%swap3A_16, %swap3A_17], %broadcast_in_dim3A_3 {strides = array<i32>} : memref<8x16xf32, #tpu.memory_space<vmem>>, vector<16xf32>,
    %swap3A_19 = arith.constant 4 : i32
    %swap3A_20 = arith.index_cast %swap3A_19 : i32 to index
    %swap3A_21 = arith.constant 0 : index
    %swap3A_22 = tpu.vector_load %arg9[%swap3A_20, %swap3A_21] {strides = array<i32>} : memref<8x16xf32, #tpu.memory_space<vmem>>, vector<16xf32>,
    tpu.vector_store %arg9[%swap3A_20, %swap3A_21], %broadcast_in_dim3A_3 {strides = array<i32>} : memref<8x16xf32, #tpu.memory_space<vmem>>, vector<16xf32>,
    %swap3A_23 = arith.constant 5 : i32
    %swap3A_24 = arith.index_cast %swap3A_23 : i32 to index
    %swap3A_25 = arith.constant 0 : index
    %swap3A_26 = tpu.vector_load %arg9[%swap3A_24, %swap3A_25] {strides = array<i32>} : memref<8x16xf32, #tpu.memory_space<vmem>>, vector<16xf32>,
    tpu.vector_store %arg9[%swap3A_24, %swap3A_25], %broadcast_in_dim3A_3 {strides = array<i32>} : memref<8x16xf32, #tpu.memory_space<vmem>>, vector<16xf32>,
    %swap3A_27 = arith.constant 6 : i32
    %swap3A_28 = arith.index_cast %swap3A_27 : i32 to index
    %swap3A_29 = arith.constant 0 : index
    %swap3A_30 = tpu.vector_load %arg9[%swap3A_28, %swap3A_29] {strides = array<i32>} : memref<8x16xf32, #tpu.memory_space<vmem>>, vector<16xf32>,
    tpu.vector_store %arg9[%swap3A_28, %swap3A_29], %broadcast_in_dim3A_3 {strides = array<i32>} : memref<8x16xf32, #tpu.memory_space<vmem>>, vector<16xf32>,
    %swap3A_31 = arith.constant 7 : i32
    %swap3A_32 = arith.index_cast %swap3A_31 : i32 to index
    %swap3A_33 = arith.constant 0 : index
    %swap3A_34 = tpu.vector_load %arg9[%swap3A_32, %swap3A_33] {strides = array<i32>} : memref<8x16xf32, #tpu.memory_space<vmem>>, vector<16xf32>,
    tpu.vector_store %arg9[%swap3A_32, %swap3A_33], %broadcast_in_dim3A_3 {strides = array<i32>} : memref<8x16xf32, #tpu.memory_space<vmem>>, vector<16xf32>,
    %scan3A = arith.constant 0 : i32
    %scan3A_35 = arith.constant 0 : i32
    %scan3A_36 = arith.constant 32 : i32
    %scan3A_37 = arith.addi %scan3A_35, %scan3A_36 : i32
    %scan3A_38 = arith.constant 1 : i32
    scf.for %scan3A_40 = %scan3A_35 to %scan3A_37 step %scan3A_38  : i32 {
      %mul3A_41 = arith.constant 16 : i32
      %mul3A_42 = arith.muli %scan3A_40, %mul3A_41 : i32
      %get3A = arith.constant 0 : i32
      %get3A_43 = arith.index_cast %get3A : i32 to index
      %get3A_44 = arith.index_cast %mul3A_42 : i32 to index
      %get3A_45 = tpu.vector_load %arg6[%get3A_43, %get3A_44] {strides = array<i32>} : memref<8x512xf32, #tpu.memory_space<vmem>>, vector<16xf32>,
      %get3A_46 = arith.constant 1 : i32
      %get3A_47 = arith.index_cast %get3A_46 : i32 to index
      %get3A_48 = arith.index_cast %mul3A_42 : i32 to index
      %get3A_49 = tpu.vector_load %arg6[%get3A_47, %get3A_48] {strides = array<i32>} : memref<8x512xf32, #tpu.memory_space<vmem>>, vector<16xf32>,
      %get3A_50 = arith.constant 2 : i32
      %get3A_51 = arith.index_cast %get3A_50 : i32 to index
      %get3A_52 = arith.index_cast %mul3A_42 : i32 to index
      %get3A_53 = tpu.vector_load %arg6[%get3A_51, %get3A_52] {strides = array<i32>} : memref<8x512xf32, #tpu.memory_space<vmem>>, vector<16xf32>,
      %get3A_54 = arith.constant 3 : i32
      %get3A_55 = arith.index_cast %get3A_54 : i32 to index
      %get3A_56 = arith.index_cast %mul3A_42 : i32 to index
      %get3A_57 = tpu.vector_load %arg6[%get3A_55, %get3A_56] {strides = array<i32>} : memref<8x512xf32, #tpu.memory_space<vmem>>, vector<16xf32>,
      %get3A_58 = arith.constant 4 : i32
      %get3A_59 = arith.index_cast %get3A_58 : i32 to index
      %get3A_60 = arith.index_cast %mul3A_42 : i32 to index
      %get3A_61 = tpu.vector_load %arg6[%get3A_59, %get3A_60] {strides = array<i32>} : memref<8x512xf32, #tpu.memory_space<vmem>>, vector<16xf32>,
      %get3A_62 = arith.constant 5 : i32
      %get3A_63 = arith.index_cast %get3A_62 : i32 to index
      %get3A_64 = arith.index_cast %mul3A_42 : i32 to index
      %get3A_65 = tpu.vector_load %arg6[%get3A_63, %get3A_64] {strides = array<i32>} : memref<8x512xf32, #tpu.memory_space<vmem>>, vector<16xf32>,
      %get3A_66 = arith.constant 6 : i32
      %get3A_67 = arith.index_cast %get3A_66 : i32 to index
      %get3A_68 = arith.index_cast %mul3A_42 : i32 to index
      %get3A_69 = tpu.vector_load %arg6[%get3A_67, %get3A_68] {strides = array<i32>} : memref<8x512xf32, #tpu.memory_space<vmem>>, vector<16xf32>,
      %get3A_70 = arith.constant 7 : i32
      %get3A_71 = arith.index_cast %get3A_70 : i32 to index
      %get3A_72 = arith.index_cast %mul3A_42 : i32 to index
      %get3A_73 = tpu.vector_load %arg6[%get3A_71, %get3A_72] {strides = array<i32>} : memref<8x512xf32, #tpu.memory_space<vmem>>, vector<16xf32>,
      %max3A = arith.maximumf %get3A_45, %get3A_49 : vector<16xf32>
      %max3A_74 = arith.maximumf %max3A, %get3A_53 : vector<16xf32>
      %max3A_75 = arith.maximumf %max3A_74, %get3A_57 : vector<16xf32>
      %max3A_76 = arith.maximumf %max3A_75, %get3A_61 : vector<16xf32>
      %max3A_77 = arith.maximumf %max3A_76, %get3A_65 : vector<16xf32>
      %max3A_78 = arith.maximumf %max3A_77, %get3A_69 : vector<16xf32>
      %max3A_79 = arith.maximumf %max3A_78, %get3A_73 : vector<16xf32>
      %broadcast_in_dim3A_80 = arith.constant 7 : i32
      %broadcast_in_dim3A_81 = vector.broadcast %broadcast_in_dim3A_80 : i32 to vector<16xi32>
      %eq3A = arith.cmpf oeq, %get3A_69, %max3A_79 : vector<16xf32>
      %jit3A = arith.constant 6 : i32
      %broadcast_in_dim3A_82 = vector.broadcast %jit3A : i32 to vector<16xi32>
      %select_n3A = arith.select %eq3A, %broadcast_in_dim3A_82, %broadcast_in_dim3A_81 : vector<16xi1>, vector<16xi32>
      %eq3A_83 = arith.cmpf oeq, %get3A_65, %max3A_79 : vector<16xf32>
      %jit3A_84 = arith.constant 5 : i32
      %broadcast_in_dim3A_85 = vector.broadcast %jit3A_84 : i32 to vector<16xi32>
      %select_n3A_86 = arith.select %eq3A_83, %broadcast_in_dim3A_85, %select_n3A : vector<16xi1>, vector<16xi32>
      %eq3A_87 = arith.cmpf oeq, %get3A_61, %max3A_79 : vector<16xf32>
      %jit3A_88 = arith.constant 4 : i32
      %broadcast_in_dim3A_89 = vector.broadcast %jit3A_88 : i32 to vector<16xi32>
      %select_n3A_90 = arith.select %eq3A_87, %broadcast_in_dim3A_89, %select_n3A_86 : vector<16xi1>, vector<16xi32>
      %eq3A_91 = arith.cmpf oeq, %get3A_57, %max3A_79 : vector<16xf32>
      %jit3A_92 = arith.constant 3 : i32
      %broadcast_in_dim3A_93 = vector.broadcast %jit3A_92 : i32 to vector<16xi32>
      %select_n3A_94 = arith.select %eq3A_91, %broadcast_in_dim3A_93, %select_n3A_90 : vector<16xi1>, vector<16xi32>
      %eq3A_95 = arith.cmpf oeq, %get3A_53, %max3A_79 : vector<16xf32>
      %jit3A_96 = arith.constant 2 : i32
      %broadcast_in_dim3A_97 = vector.broadcast %jit3A_96 : i32 to vector<16xi32>
      %select_n3A_98 = arith.select %eq3A_95, %broadcast_in_dim3A_97, %select_n3A_94 : vector<16xi1>, vector<16xi32>
      %eq3A_99 = arith.cmpf oeq, %get3A_49, %max3A_79 : vector<16xf32>
      %jit3A_100 = arith.constant 1 : i32
      %broadcast_in_dim3A_101 = vector.broadcast %jit3A_100 : i32 to vector<16xi32>
      %select_n3A_102 = arith.select %eq3A_99, %broadcast_in_dim3A_101, %select_n3A_98 : vector<16xi1>, vector<16xi32>
      %eq3A_103 = arith.cmpf oeq, %get3A_45, %max3A_79 : vector<16xf32>
      %jit3A_104 = arith.constant 0 : i32
      %broadcast_in_dim3A_105 = vector.broadcast %jit3A_104 : i32 to vector<16xi32>
      %select_n3A_106 = arith.select %eq3A_103, %broadcast_in_dim3A_105, %select_n3A_102 : vector<16xi1>, vector<16xi32>
      %eq3A_107 = arith.constant 0 : i32
      %eq3A_108 = vector.broadcast %eq3A_107 : i32 to vector<16xi32>
      %eq3A_109 = arith.cmpi eq, %select_n3A_106, %eq3A_108 : vector<16xi32>
      %jit3A_110 = arith.constant -1.000000e+30 : f32
      %broadcast_in_dim3A_111 = vector.broadcast %jit3A_110 : f32 to vector<16xf32>
      %select_n3A_112 = arith.select %eq3A_109, %broadcast_in_dim3A_111, %get3A_45 : vector<16xi1>, vector<16xf32>
      %eq3A_113 = arith.constant 1 : i32
      %eq3A_114 = vector.broadcast %eq3A_113 : i32 to vector<16xi32>
      %eq3A_115 = arith.cmpi eq, %select_n3A_106, %eq3A_114 : vector<16xi32>
      %jit3A_116 = arith.constant -1.000000e+30 : f32
      %broadcast_in_dim3A_117 = vector.broadcast %jit3A_116 : f32 to vector<16xf32>
      %select_n3A_118 = arith.select %eq3A_115, %broadcast_in_dim3A_117, %get3A_49 : vector<16xi1>, vector<16xf32>
      %eq3A_119 = arith.constant 2 : i32
      %eq3A_120 = vector.broadcast %eq3A_119 : i32 to vector<16xi32>
      %eq3A_121 = arith.cmpi eq, %select_n3A_106, %eq3A_120 : vector<16xi32>
      %jit3A_122 = arith.constant -1.000000e+30 : f32
      %broadcast_in_dim3A_123 = vector.broadcast %jit3A_122 : f32 to vector<16xf32>
      %select_n3A_124 = arith.select %eq3A_121, %broadcast_in_dim3A_123, %get3A_53 : vector<16xi1>, vector<16xf32>
      %eq3A_125 = arith.constant 3 : i32
      %eq3A_126 = vector.broadcast %eq3A_125 : i32 to vector<16xi32>
      %eq3A_127 = arith.cmpi eq, %select_n3A_106, %eq3A_126 : vector<16xi32>
      %jit3A_128 = arith.constant -1.000000e+30 : f32
      %broadcast_in_dim3A_129 = vector.broadcast %jit3A_128 : f32 to vector<16xf32>
      %select_n3A_130 = arith.select %eq3A_127, %broadcast_in_dim3A_129, %get3A_57 : vector<16xi1>, vector<16xf32>
      %eq3A_131 = arith.constant 4 : i32
      %eq3A_132 = vector.broadcast %eq3A_131 : i32 to vector<16xi32>
      %eq3A_133 = arith.cmpi eq, %select_n3A_106, %eq3A_132 : vector<16xi32>
      %jit3A_134 = arith.constant -1.000000e+30 : f32
      %broadcast_in_dim3A_135 = vector.broadcast %jit3A_134 : f32 to vector<16xf32>
      %select_n3A_136 = arith.select %eq3A_133, %broadcast_in_dim3A_135, %get3A_61 : vector<16xi1>, vector<16xf32>
      %eq3A_137 = arith.constant 5 : i32
      %eq3A_138 = vector.broadcast %eq3A_137 : i32 to vector<16xi32>
      %eq3A_139 = arith.cmpi eq, %select_n3A_106, %eq3A_138 : vector<16xi32>
      %jit3A_140 = arith.constant -1.000000e+30 : f32
      %broadcast_in_dim3A_141 = vector.broadcast %jit3A_140 : f32 to vector<16xf32>
      %select_n3A_142 = arith.select %eq3A_139, %broadcast_in_dim3A_141, %get3A_65 : vector<16xi1>, vector<16xf32>
      %eq3A_143 = arith.constant 6 : i32
      %eq3A_144 = vector.broadcast %eq3A_143 : i32 to vector<16xi32>
      %eq3A_145 = arith.cmpi eq, %select_n3A_106, %eq3A_144 : vector<16xi32>
      %jit3A_146 = arith.constant -1.000000e+30 : f32
      %broadcast_in_dim3A_147 = vector.broadcast %jit3A_146 : f32 to vector<16xf32>
      %select_n3A_148 = arith.select %eq3A_145, %broadcast_in_dim3A_147, %get3A_69 : vector<16xi1>, vector<16xf32>
      %eq3A_149 = arith.constant 7 : i32
      %eq3A_150 = vector.broadcast %eq3A_149 : i32 to vector<16xi32>
      %eq3A_151 = arith.cmpi eq, %select_n3A_106, %eq3A_150 : vector<16xi32>
      %jit3A_152 = arith.constant -1.000000e+30 : f32
      %broadcast_in_dim3A_153 = vector.broadcast %jit3A_152 : f32 to vector<16xf32>
      %select_n3A_154 = arith.select %eq3A_151, %broadcast_in_dim3A_153, %get3A_73 : vector<16xi1>, vector<16xf32>
      %max3A_155 = arith.maximumf %select_n3A_112, %select_n3A_118 : vector<16xf32>
      %max3A_156 = arith.maximumf %max3A_155, %select_n3A_124 : vector<16xf32>
      %max3A_157 = arith.maximumf %max3A_156, %select_n3A_130 : vector<16xf32>
      %max3A_158 = arith.maximumf %max3A_157, %select_n3A_136 : vector<16xf32>
      %max3A_159 = arith.maximumf %max3A_158, %select_n3A_142 : vector<16xf32>
      %max3A_160 = arith.maximumf %max3A_159, %select_n3A_148 : vector<16xf32>
      %max3A_161 = arith.maximumf %max3A_160, %select_n3A_154 : vector<16xf32>
      %broadcast_in_dim3A_162 = arith.constant 7 : i32
      %broadcast_in_dim3A_163 = vector.broadcast %broadcast_in_dim3A_162 : i32 to vector<16xi32>
      %eq3A_164 = arith.cmpf oeq, %select_n3A_148, %max3A_161 : vector<16xf32>
      %jit3A_165 = arith.constant 6 : i32
      %broadcast_in_dim3A_166 = vector.broadcast %jit3A_165 : i32 to vector<16xi32>
      %select_n3A_167 = arith.select %eq3A_164, %broadcast_in_dim3A_166, %broadcast_in_dim3A_163 : vector<16xi1>, vector<16xi32>
      %eq3A_168 = arith.cmpf oeq, %select_n3A_142, %max3A_161 : vector<16xf32>
      %jit3A_169 = arith.constant 5 : i32
      %broadcast_in_dim3A_170 = vector.broadcast %jit3A_169 : i32 to vector<16xi32>
      %select_n3A_171 = arith.select %eq3A_168, %broadcast_in_dim3A_170, %select_n3A_167 : vector<16xi1>, vector<16xi32>
      %eq3A_172 = arith.cmpf oeq, %select_n3A_136, %max3A_161 : vector<16xf32>
      %jit3A_173 = arith.constant 4 : i32
      %broadcast_in_dim3A_174 = vector.broadcast %jit3A_173 : i32 to vector<16xi32>
      %select_n3A_175 = arith.select %eq3A_172, %broadcast_in_dim3A_174, %select_n3A_171 : vector<16xi1>, vector<16xi32>
      %eq3A_176 = arith.cmpf oeq, %select_n3A_130, %max3A_161 : vector<16xf32>
      %jit3A_177 = arith.constant 3 : i32
      %broadcast_in_dim3A_178 = vector.broadcast %jit3A_177 : i32 to vector<16xi32>
      %select_n3A_179 = arith.select %eq3A_176, %broadcast_in_dim3A_178, %select_n3A_175 : vector<16xi1>, vector<16xi32>
      %eq3A_180 = arith.cmpf oeq, %select_n3A_124, %max3A_161 : vector<16xf32>
      %jit3A_181 = arith.constant 2 : i32
      %broadcast_in_dim3A_182 = vector.broadcast %jit3A_181 : i32 to vector<16xi32>
      %select_n3A_183 = arith.select %eq3A_180, %broadcast_in_dim3A_182, %select_n3A_179 : vector<16xi1>, vector<16xi32>
      %eq3A_184 = arith.cmpf oeq, %select_n3A_118, %max3A_161 : vector<16xf32>
      %jit3A_185 = arith.constant 1 : i32
      %broadcast_in_dim3A_186 = vector.broadcast %jit3A_185 : i32 to vector<16xi32>
      %select_n3A_187 = arith.select %eq3A_184, %broadcast_in_dim3A_186, %select_n3A_183 : vector<16xi1>, vector<16xi32>
      %eq3A_188 = arith.cmpf oeq, %select_n3A_112, %max3A_161 : vector<16xf32>
      %jit3A_189 = arith.constant 0 : i32
      %broadcast_in_dim3A_190 = vector.broadcast %jit3A_189 : i32 to vector<16xi32>
      %select_n3A_191 = arith.select %eq3A_188, %broadcast_in_dim3A_190, %select_n3A_187 : vector<16xi1>, vector<16xi32>
      %sub3A = arith.subf %max3A_161, %max3A_79 : vector<16xf32>
      %exp3A = math.exp %sub3A : vector<16xf32>
      %add3A_192 = arith.constant 1.000000e+00 : f32
      %add3A_193 = vector.broadcast %add3A_192 : f32 to vector<16xf32>
      %add3A_194 = arith.addf %add3A_193, %exp3A : vector<16xf32>
      %div3A = arith.constant 1.000000e+00 : f32
      %div3A_195 = vector.broadcast %div3A : f32 to vector<16xf32>
      %div3A_196 = arith.divf %div3A_195, %add3A_194 : vector<16xf32>
      %mul3A_197 = arith.mulf %exp3A, %div3A_196 : vector<16xf32>
      %eq3A_198 = arith.constant 0 : i32
      %eq3A_199 = vector.broadcast %eq3A_198 : i32 to vector<16xi32>
      %eq3A_200 = arith.cmpi eq, %select_n3A_106, %eq3A_199 : vector<16xi32>
      %eq3A_201 = arith.constant 0 : i32
      %eq3A_202 = vector.broadcast %eq3A_201 : i32 to vector<16xi32>
      %eq3A_203 = arith.cmpi eq, %select_n3A_191, %eq3A_202 : vector<16xi32>
      %jit3A_204 = arith.constant 0.000000e+00 : f32
      %broadcast_in_dim3A_205 = vector.broadcast %jit3A_204 : f32 to vector<16xf32>
      %select_n3A_206 = arith.select %eq3A_203, %mul3A_197, %broadcast_in_dim3A_205 : vector<16xi1>, vector<16xf32>
      %select_n3A_207 = arith.select %eq3A_200, %div3A_196, %select_n3A_206 : vector<16xi1>, vector<16xf32>
      %swap3A_208 = arith.constant 0 : i32
      %swap3A_209 = arith.index_cast %swap3A_208 : i32 to index
      %swap3A_210 = arith.index_cast %mul3A_42 : i32 to index
      %swap3A_211 = tpu.vector_load %arg7[%swap3A_209, %swap3A_210] {strides = array<i32>} : memref<8x512xf32, #tpu.memory_space<vmem>>, vector<16xf32>,
      tpu.vector_store %arg7[%swap3A_209, %swap3A_210], %select_n3A_207 {strides = array<i32>} : memref<8x512xf32, #tpu.memory_space<vmem>>, vector<16xf32>,
      %swap3A_212 = arith.constant 0 : i32
      %swap3A_213 = arith.index_cast %swap3A_212 : i32 to index
      %swap3A_214 = arith.constant 0 : index
      %swap3A_215 = tpu.vector_load %arg9[%swap3A_213, %swap3A_214] {strides = array<i32>} : memref<8x16xf32, #tpu.memory_space<vmem>>, vector<16xf32>,
      tpu.vector_store %arg9[%swap3A_213, %swap3A_214], %select_n3A_207 {add = true, strides = array<i32>} : memref<8x16xf32, #tpu.memory_space<vmem>>, vector<16xf32>,
      %eq3A_216 = arith.constant 1 : i32
      %eq3A_217 = vector.broadcast %eq3A_216 : i32 to vector<16xi32>
      %eq3A_218 = arith.cmpi eq, %select_n3A_106, %eq3A_217 : vector<16xi32>
      %eq3A_219 = arith.constant 1 : i32
      %eq3A_220 = vector.broadcast %eq3A_219 : i32 to vector<16xi32>
      %eq3A_221 = arith.cmpi eq, %select_n3A_191, %eq3A_220 : vector<16xi32>
      %jit3A_222 = arith.constant 0.000000e+00 : f32
      %broadcast_in_dim3A_223 = vector.broadcast %jit3A_222 : f32 to vector<16xf32>
      %select_n3A_224 = arith.select %eq3A_221, %mul3A_197, %broadcast_in_dim3A_223 : vector<16xi1>, vector<16xf32>
      %select_n3A_225 = arith.select %eq3A_218, %div3A_196, %select_n3A_224 : vector<16xi1>, vector<16xf32>
      %swap3A_226 = arith.constant 1 : i32
      %swap3A_227 = arith.index_cast %swap3A_226 : i32 to index
      %swap3A_228 = arith.index_cast %mul3A_42 : i32 to index
      %swap3A_229 = tpu.vector_load %arg7[%swap3A_227, %swap3A_228] {strides = array<i32>} : memref<8x512xf32, #tpu.memory_space<vmem>>, vector<16xf32>,
      tpu.vector_store %arg7[%swap3A_227, %swap3A_228], %select_n3A_225 {strides = array<i32>} : memref<8x512xf32, #tpu.memory_space<vmem>>, vector<16xf32>,
      %swap3A_230 = arith.constant 1 : i32
      %swap3A_231 = arith.index_cast %swap3A_230 : i32 to index
      %swap3A_232 = arith.constant 0 : index
      %swap3A_233 = tpu.vector_load %arg9[%swap3A_231, %swap3A_232] {strides = array<i32>} : memref<8x16xf32, #tpu.memory_space<vmem>>, vector<16xf32>,
      tpu.vector_store %arg9[%swap3A_231, %swap3A_232], %select_n3A_225 {add = true, strides = array<i32>} : memref<8x16xf32, #tpu.memory_space<vmem>>, vector<16xf32>,
      %eq3A_234 = arith.constant 2 : i32
      %eq3A_235 = vector.broadcast %eq3A_234 : i32 to vector<16xi32>
      %eq3A_236 = arith.cmpi eq, %select_n3A_106, %eq3A_235 : vector<16xi32>
      %eq3A_237 = arith.constant 2 : i32
      %eq3A_238 = vector.broadcast %eq3A_237 : i32 to vector<16xi32>
      %eq3A_239 = arith.cmpi eq, %select_n3A_191, %eq3A_238 : vector<16xi32>
      %jit3A_240 = arith.constant 0.000000e+00 : f32
      %broadcast_in_dim3A_241 = vector.broadcast %jit3A_240 : f32 to vector<16xf32>
      %select_n3A_242 = arith.select %eq3A_239, %mul3A_197, %broadcast_in_dim3A_241 : vector<16xi1>, vector<16xf32>
      %select_n3A_243 = arith.select %eq3A_236, %div3A_196, %select_n3A_242 : vector<16xi1>, vector<16xf32>
      %swap3A_244 = arith.constant 2 : i32
      %swap3A_245 = arith.index_cast %swap3A_244 : i32 to index
      %swap3A_246 = arith.index_cast %mul3A_42 : i32 to index
      %swap3A_247 = tpu.vector_load %arg7[%swap3A_245, %swap3A_246] {strides = array<i32>} : memref<8x512xf32, #tpu.memory_space<vmem>>, vector<16xf32>,
      tpu.vector_store %arg7[%swap3A_245, %swap3A_246], %select_n3A_243 {strides = array<i32>} : memref<8x512xf32, #tpu.memory_space<vmem>>, vector<16xf32>,
      %swap3A_248 = arith.constant 2 : i32
      %swap3A_249 = arith.index_cast %swap3A_248 : i32 to index
      %swap3A_250 = arith.constant 0 : index
      %swap3A_251 = tpu.vector_load %arg9[%swap3A_249, %swap3A_250] {strides = array<i32>} : memref<8x16xf32, #tpu.memory_space<vmem>>, vector<16xf32>,
      tpu.vector_store %arg9[%swap3A_249, %swap3A_250], %select_n3A_243 {add = true, strides = array<i32>} : memref<8x16xf32, #tpu.memory_space<vmem>>, vector<16xf32>,
      %eq3A_252 = arith.constant 3 : i32
      %eq3A_253 = vector.broadcast %eq3A_252 : i32 to vector<16xi32>
      %eq3A_254 = arith.cmpi eq, %select_n3A_106, %eq3A_253 : vector<16xi32>
      %eq3A_255 = arith.constant 3 : i32
      %eq3A_256 = vector.broadcast %eq3A_255 : i32 to vector<16xi32>
      %eq3A_257 = arith.cmpi eq, %select_n3A_191, %eq3A_256 : vector<16xi32>
      %jit3A_258 = arith.constant 0.000000e+00 : f32
      %broadcast_in_dim3A_259 = vector.broadcast %jit3A_258 : f32 to vector<16xf32>
      %select_n3A_260 = arith.select %eq3A_257, %mul3A_197, %broadcast_in_dim3A_259 : vector<16xi1>, vector<16xf32>
      %select_n3A_261 = arith.select %eq3A_254, %div3A_196, %select_n3A_260 : vector<16xi1>, vector<16xf32>
      %swap3A_262 = arith.constant 3 : i32
      %swap3A_263 = arith.index_cast %swap3A_262 : i32 to index
      %swap3A_264 = arith.index_cast %mul3A_42 : i32 to index
      %swap3A_265 = tpu.vector_load %arg7[%swap3A_263, %swap3A_264] {strides = array<i32>} : memref<8x512xf32, #tpu.memory_space<vmem>>, vector<16xf32>,
      tpu.vector_store %arg7[%swap3A_263, %swap3A_264], %select_n3A_261 {strides = array<i32>} : memref<8x512xf32, #tpu.memory_space<vmem>>, vector<16xf32>,
      %swap3A_266 = arith.constant 3 : i32
      %swap3A_267 = arith.index_cast %swap3A_266 : i32 to index
      %swap3A_268 = arith.constant 0 : index
      %swap3A_269 = tpu.vector_load %arg9[%swap3A_267, %swap3A_268] {strides = array<i32>} : memref<8x16xf32, #tpu.memory_space<vmem>>, vector<16xf32>,
      tpu.vector_store %arg9[%swap3A_267, %swap3A_268], %select_n3A_261 {add = true, strides = array<i32>} : memref<8x16xf32, #tpu.memory_space<vmem>>, vector<16xf32>,
      %eq3A_270 = arith.constant 4 : i32
      %eq3A_271 = vector.broadcast %eq3A_270 : i32 to vector<16xi32>
      %eq3A_272 = arith.cmpi eq, %select_n3A_106, %eq3A_271 : vector<16xi32>
      %eq3A_273 = arith.constant 4 : i32
      %eq3A_274 = vector.broadcast %eq3A_273 : i32 to vector<16xi32>
      %eq3A_275 = arith.cmpi eq, %select_n3A_191, %eq3A_274 : vector<16xi32>
      %jit3A_276 = arith.constant 0.000000e+00 : f32
      %broadcast_in_dim3A_277 = vector.broadcast %jit3A_276 : f32 to vector<16xf32>
      %select_n3A_278 = arith.select %eq3A_275, %mul3A_197, %broadcast_in_dim3A_277 : vector<16xi1>, vector<16xf32>
      %select_n3A_279 = arith.select %eq3A_272, %div3A_196, %select_n3A_278 : vector<16xi1>, vector<16xf32>
      %swap3A_280 = arith.constant 4 : i32
      %swap3A_281 = arith.index_cast %swap3A_280 : i32 to index
      %swap3A_282 = arith.index_cast %mul3A_42 : i32 to index
      %swap3A_283 = tpu.vector_load %arg7[%swap3A_281, %swap3A_282] {strides = array<i32>} : memref<8x512xf32, #tpu.memory_space<vmem>>, vector<16xf32>,
      tpu.vector_store %arg7[%swap3A_281, %swap3A_282], %select_n3A_279 {strides = array<i32>} : memref<8x512xf32, #tpu.memory_space<vmem>>, vector<16xf32>,
      %swap3A_284 = arith.constant 4 : i32
      %swap3A_285 = arith.index_cast %swap3A_284 : i32 to index
      %swap3A_286 = arith.constant 0 : index
      %swap3A_287 = tpu.vector_load %arg9[%swap3A_285, %swap3A_286] {strides = array<i32>} : memref<8x16xf32, #tpu.memory_space<vmem>>, vector<16xf32>,
      tpu.vector_store %arg9[%swap3A_285, %swap3A_286], %select_n3A_279 {add = true, strides = array<i32>} : memref<8x16xf32, #tpu.memory_space<vmem>>, vector<16xf32>,
      %eq3A_288 = arith.constant 5 : i32
      %eq3A_289 = vector.broadcast %eq3A_288 : i32 to vector<16xi32>
      %eq3A_290 = arith.cmpi eq, %select_n3A_106, %eq3A_289 : vector<16xi32>
      %eq3A_291 = arith.constant 5 : i32
      %eq3A_292 = vector.broadcast %eq3A_291 : i32 to vector<16xi32>
      %eq3A_293 = arith.cmpi eq, %select_n3A_191, %eq3A_292 : vector<16xi32>
      %jit3A_294 = arith.constant 0.000000e+00 : f32
      %broadcast_in_dim3A_295 = vector.broadcast %jit3A_294 : f32 to vector<16xf32>
      %select_n3A_296 = arith.select %eq3A_293, %mul3A_197, %broadcast_in_dim3A_295 : vector<16xi1>, vector<16xf32>
      %select_n3A_297 = arith.select %eq3A_290, %div3A_196, %select_n3A_296 : vector<16xi1>, vector<16xf32>
      %swap3A_298 = arith.constant 5 : i32
      %swap3A_299 = arith.index_cast %swap3A_298 : i32 to index
      %swap3A_300 = arith.index_cast %mul3A_42 : i32 to index
      %swap3A_301 = tpu.vector_load %arg7[%swap3A_299, %swap3A_300] {strides = array<i32>} : memref<8x512xf32, #tpu.memory_space<vmem>>, vector<16xf32>,
      tpu.vector_store %arg7[%swap3A_299, %swap3A_300], %select_n3A_297 {strides = array<i32>} : memref<8x512xf32, #tpu.memory_space<vmem>>, vector<16xf32>,
      %swap3A_302 = arith.constant 5 : i32
      %swap3A_303 = arith.index_cast %swap3A_302 : i32 to index
      %swap3A_304 = arith.constant 0 : index
      %swap3A_305 = tpu.vector_load %arg9[%swap3A_303, %swap3A_304] {strides = array<i32>} : memref<8x16xf32, #tpu.memory_space<vmem>>, vector<16xf32>,
      tpu.vector_store %arg9[%swap3A_303, %swap3A_304], %select_n3A_297 {add = true, strides = array<i32>} : memref<8x16xf32, #tpu.memory_space<vmem>>, vector<16xf32>,
      %eq3A_306 = arith.constant 6 : i32
      %eq3A_307 = vector.broadcast %eq3A_306 : i32 to vector<16xi32>
      %eq3A_308 = arith.cmpi eq, %select_n3A_106, %eq3A_307 : vector<16xi32>
      %eq3A_309 = arith.constant 6 : i32
      %eq3A_310 = vector.broadcast %eq3A_309 : i32 to vector<16xi32>
      %eq3A_311 = arith.cmpi eq, %select_n3A_191, %eq3A_310 : vector<16xi32>
      %jit3A_312 = arith.constant 0.000000e+00 : f32
      %broadcast_in_dim3A_313 = vector.broadcast %jit3A_312 : f32 to vector<16xf32>
      %select_n3A_314 = arith.select %eq3A_311, %mul3A_197, %broadcast_in_dim3A_313 : vector<16xi1>, vector<16xf32>
      %select_n3A_315 = arith.select %eq3A_308, %div3A_196, %select_n3A_314 : vector<16xi1>, vector<16xf32>
      %swap3A_316 = arith.constant 6 : i32
      %swap3A_317 = arith.index_cast %swap3A_316 : i32 to index
      %swap3A_318 = arith.index_cast %mul3A_42 : i32 to index
      %swap3A_319 = tpu.vector_load %arg7[%swap3A_317, %swap3A_318] {strides = array<i32>} : memref<8x512xf32, #tpu.memory_space<vmem>>, vector<16xf32>,
      tpu.vector_store %arg7[%swap3A_317, %swap3A_318], %select_n3A_315 {strides = array<i32>} : memref<8x512xf32, #tpu.memory_space<vmem>>, vector<16xf32>,
      %swap3A_320 = arith.constant 6 : i32
      %swap3A_321 = arith.index_cast %swap3A_320 : i32 to index
      %swap3A_322 = arith.constant 0 : index
      %swap3A_323 = tpu.vector_load %arg9[%swap3A_321, %swap3A_322] {strides = array<i32>} : memref<8x16xf32, #tpu.memory_space<vmem>>, vector<16xf32>,
      tpu.vector_store %arg9[%swap3A_321, %swap3A_322], %select_n3A_315 {add = true, strides = array<i32>} : memref<8x16xf32, #tpu.memory_space<vmem>>, vector<16xf32>,
      %eq3A_324 = arith.constant 7 : i32
      %eq3A_325 = vector.broadcast %eq3A_324 : i32 to vector<16xi32>
      %eq3A_326 = arith.cmpi eq, %select_n3A_106, %eq3A_325 : vector<16xi32>
      %eq3A_327 = arith.constant 7 : i32
      %eq3A_328 = vector.broadcast %eq3A_327 : i32 to vector<16xi32>
      %eq3A_329 = arith.cmpi eq, %select_n3A_191, %eq3A_328 : vector<16xi32>
      %jit3A_330 = arith.constant 0.000000e+00 : f32
      %broadcast_in_dim3A_331 = vector.broadcast %jit3A_330 : f32 to vector<16xf32>
      %select_n3A_332 = arith.select %eq3A_329, %mul3A_197, %broadcast_in_dim3A_331 : vector<16xi1>, vector<16xf32>
      %select_n3A_333 = arith.select %eq3A_326, %div3A_196, %select_n3A_332 : vector<16xi1>, vector<16xf32>
      %swap3A_334 = arith.constant 7 : i32
      %swap3A_335 = arith.index_cast %swap3A_334 : i32 to index
      %swap3A_336 = arith.index_cast %mul3A_42 : i32 to index
      %swap3A_337 = tpu.vector_load %arg7[%swap3A_335, %swap3A_336] {strides = array<i32>} : memref<8x512xf32, #tpu.memory_space<vmem>>, vector<16xf32>,
      tpu.vector_store %arg7[%swap3A_335, %swap3A_336], %select_n3A_333 {strides = array<i32>} : memref<8x512xf32, #tpu.memory_space<vmem>>, vector<16xf32>,
      %swap3A_338 = arith.constant 7 : i32
      %swap3A_339 = arith.index_cast %swap3A_338 : i32 to index
      %swap3A_340 = arith.constant 0 : index
      %swap3A_341 = tpu.vector_load %arg9[%swap3A_339, %swap3A_340] {strides = array<i32>} : memref<8x16xf32, #tpu.memory_space<vmem>>, vector<16xf32>,
      tpu.vector_store %arg9[%swap3A_339, %swap3A_340], %select_n3A_333 {add = true, strides = array<i32>} : memref<8x16xf32, #tpu.memory_space<vmem>>, vector<16xf32>,
      %swap3A_342 = arith.constant 0 : i32
      %swap3A_343 = arith.index_cast %swap3A_342 : i32 to index
      %swap3A_344 = arith.index_cast %mul3A_42 : i32 to index
      %swap3A_345 = tpu.vector_load %arg8[%swap3A_343, %swap3A_344] {strides = array<i32>} : memref<2x512xi32, #tpu.memory_space<vmem>>, vector<16xi32>,
      tpu.vector_store %arg8[%swap3A_343, %swap3A_344], %select_n3A_106 {strides = array<i32>} : memref<2x512xi32, #tpu.memory_space<vmem>>, vector<16xi32>,
      %swap3A_346 = arith.constant 1 : i32
      %swap3A_347 = arith.index_cast %swap3A_346 : i32 to index
      %swap3A_348 = arith.index_cast %mul3A_42 : i32 to index
      %swap3A_349 = tpu.vector_load %arg8[%swap3A_347, %swap3A_348] {strides = array<i32>} : memref<2x512xi32, #tpu.memory_space<vmem>>, vector<16xi32>,
      tpu.vector_store %arg8[%swap3A_347, %swap3A_348], %select_n3A_191 {strides = array<i32>} : memref<2x512xi32, #tpu.memory_space<vmem>>, vector<16xi32>,
    }
    %scan3A_39 = arith.constant 32 : i32
    "tpu.region"() ({
      %run_scoped3A = tpu.sem_alloc : memref<!tpu.dma_semaphore, #tpu.memory_space<semaphore_mem>>
      %dma_start3A = arith.constant 0 : i32
      %dma_start3A_40 = tpu.memref_slice %arg3[%dma_start3A, %mul3A_2] : memref<8x16384xf32, #tpu.memory_space<hbm>> -> memref<8x512xf32, #tpu.memory_space<hbm>>
      %dma_start3A_41 = arith.constant 0 : i32
      %dma_start3A_42 = tpu.memref_slice %arg3[%dma_start3A_41, %mul3A_2] : memref<8x16384xf32, #tpu.memory_space<hbm>> -> memref<8x512xf32, #tpu.memory_space<hbm>>
      tpu.enqueue_dma source(%arg7 : memref<8x512xf32, #tpu.memory_space<vmem>>) target(%dma_start3A_42 : memref<8x512xf32, #tpu.memory_space<hbm>>) target_semaphore(%run_scoped3A : memref<!tpu.dma_semaphore, #tpu.memory_space<semaphore_mem>>)
      %dma_wait3A = arith.constant 0 : i32
      %dma_wait3A_43 = tpu.memref_slice %arg3[%dma_wait3A, %mul3A_2] : memref<8x16384xf32, #tpu.memory_space<hbm>> -> memref<8x512xf32, #tpu.memory_space<hbm>>
      %dma_wait3A_44 = arith.constant 0 : i32
      %dma_wait3A_45 = tpu.memref_slice %arg3[%dma_wait3A_44, %mul3A_2] : memref<8x16384xf32, #tpu.memory_space<hbm>> -> memref<8x512xf32, #tpu.memory_space<hbm>>
      tpu.wait_dma2 semaphore(%run_scoped3A : memref<!tpu.dma_semaphore, #tpu.memory_space<semaphore_mem>>) src(%arg7 : memref<8x512xf32, #tpu.memory_space<vmem>>) dst(%dma_wait3A_45 : memref<8x512xf32, #tpu.memory_space<hbm>>)
      tpu.yield
    }) : () -> ()
    "tpu.region"() ({
      %run_scoped3A = tpu.sem_alloc : memref<!tpu.dma_semaphore, #tpu.memory_space<semaphore_mem>>
      %dma_start3A = arith.constant 0 : i32
      %dma_start3A_40 = tpu.memref_slice %arg4[%dma_start3A, %mul3A_2] : memref<2x16384xi32, #tpu.memory_space<hbm>> -> memref<2x512xi32, #tpu.memory_space<hbm>>
      %dma_start3A_41 = arith.constant 0 : i32
      %dma_start3A_42 = tpu.memref_slice %arg4[%dma_start3A_41, %mul3A_2] : memref<2x16384xi32, #tpu.memory_space<hbm>> -> memref<2x512xi32, #tpu.memory_space<hbm>>
      tpu.enqueue_dma source(%arg8 : memref<2x512xi32, #tpu.memory_space<vmem>>) target(%dma_start3A_42 : memref<2x512xi32, #tpu.memory_space<hbm>>) target_semaphore(%run_scoped3A : memref<!tpu.dma_semaphore, #tpu.memory_space<semaphore_mem>>)
      %dma_wait3A = arith.constant 0 : i32
      %dma_wait3A_43 = tpu.memref_slice %arg4[%dma_wait3A, %mul3A_2] : memref<2x16384xi32, #tpu.memory_space<hbm>> -> memref<2x512xi32, #tpu.memory_space<hbm>>
      %dma_wait3A_44 = arith.constant 0 : i32
      %dma_wait3A_45 = tpu.memref_slice %arg4[%dma_wait3A_44, %mul3A_2] : memref<2x16384xi32, #tpu.memory_space<hbm>> -> memref<2x512xi32, #tpu.memory_space<hbm>>
      tpu.wait_dma2 semaphore(%run_scoped3A : memref<!tpu.dma_semaphore, #tpu.memory_space<semaphore_mem>>) src(%arg8 : memref<2x512xi32, #tpu.memory_space<vmem>>) dst(%dma_wait3A_45 : memref<2x512xi32, #tpu.memory_space<hbm>>)
      tpu.yield
    }) : () -> ()
    "tpu.region"() ({
      %run_scoped3A = tpu.sem_alloc : memref<!tpu.dma_semaphore, #tpu.memory_space<semaphore_mem>>
      %dma_start3A = arith.constant 0 : i32
      %dma_start3A_40 = arith.constant 0 : i32
      %dma_start3A_41 = tpu.memref_slice %arg5[%add3A, %dma_start3A, %dma_start3A_40] : memref<32x8x16xf32, #tpu.memory_space<hbm>> -> memref<1x8x16xf32, #tpu.memory_space<hbm>>
      %dma_start3A_42 = tpu.memref_squeeze %dma_start3A_41 : memref<1x8x16xf32, #tpu.memory_space<hbm>> -> memref<8x16xf32, #tpu.memory_space<hbm>>
      %dma_start3A_43 = arith.constant 0 : i32
      %dma_start3A_44 = arith.constant 0 : i32
      %dma_start3A_45 = tpu.memref_slice %arg5[%add3A, %dma_start3A_43, %dma_start3A_44] : memref<32x8x16xf32, #tpu.memory_space<hbm>> -> memref<1x8x16xf32, #tpu.memory_space<hbm>>
      %dma_start3A_46 = tpu.memref_squeeze %dma_start3A_45 : memref<1x8x16xf32, #tpu.memory_space<hbm>> -> memref<8x16xf32, #tpu.memory_space<hbm>>
      tpu.enqueue_dma source(%arg9 : memref<8x16xf32, #tpu.memory_space<vmem>>) target(%dma_start3A_46 : memref<8x16xf32, #tpu.memory_space<hbm>>) target_semaphore(%run_scoped3A : memref<!tpu.dma_semaphore, #tpu.memory_space<semaphore_mem>>)
      %dma_wait3A = arith.constant 0 : i32
      %dma_wait3A_47 = arith.constant 0 : i32
      %dma_wait3A_48 = tpu.memref_slice %arg5[%add3A, %dma_wait3A, %dma_wait3A_47] : memref<32x8x16xf32, #tpu.memory_space<hbm>> -> memref<1x8x16xf32, #tpu.memory_space<hbm>>
      %dma_wait3A_49 = tpu.memref_squeeze %dma_wait3A_48 : memref<1x8x16xf32, #tpu.memory_space<hbm>> -> memref<8x16xf32, #tpu.memory_space<hbm>>
      %dma_wait3A_50 = arith.constant 0 : i32
      %dma_wait3A_51 = arith.constant 0 : i32
      %dma_wait3A_52 = tpu.memref_slice %arg5[%add3A, %dma_wait3A_50, %dma_wait3A_51] : memref<32x8x16xf32, #tpu.memory_space<hbm>> -> memref<1x8x16xf32, #tpu.memory_space<hbm>>
      %dma_wait3A_53 = tpu.memref_squeeze %dma_wait3A_52 : memref<1x8x16xf32, #tpu.memory_space<hbm>> -> memref<8x16xf32, #tpu.memory_space<hbm>>
      tpu.wait_dma2 semaphore(%run_scoped3A : memref<!tpu.dma_semaphore, #tpu.memory_space<semaphore_mem>>) src(%arg9 : memref<8x16xf32, #tpu.memory_space<vmem>>) dst(%dma_wait3A_53 : memref<8x16xf32, #tpu.memory_space<hbm>>)
      tpu.yield
    }) : () -> ()
    return
  }
}

module attributes {stable_mosaic.version = 14 : i64} {
  func.func @_noisy_logits_body(%arg0: i32, %arg1: memref<4096x768xf32, #tpu.memory_space<vmem>>, %arg2: memref<768x16xf32, #tpu.memory_space<vmem>>, %arg3: memref<16xf32, #tpu.memory_space<vmem>>, %arg4: memref<4096x8xf32, #tpu.memory_space<vmem>>, %arg5: memref<8x4096xf32, #tpu.memory_space<vmem>>) attributes {dimension_semantics = [#tpu.dimension_semantics<arbitrary>], iteration_bounds = array<i64: 4>, scalar_prefetch = 0 : i64, scratch_operands = 0 : i64, tpu.core_type = #tpu.core_type<tc>, window_params = [{transform_indices = @transform_0, window_bounds = array<i64: 4096, 768>}, {pipeline_mode = #tpu.pipeline_mode<synchronous>, transform_indices = @transform_1, window_bounds = array<i64: 768, 16>}, {pipeline_mode = #tpu.pipeline_mode<synchronous>, transform_indices = @transform_2, window_bounds = array<i64: 16>}, {transform_indices = @transform_3, window_bounds = array<i64: 4096, 8>}, {transform_indices = @transform_4, window_bounds = array<i64: 8, 4096>}]} {
    %get3A = arith.constant 0 : index
    %get3A_0 = arith.constant 0 : index
    %get3A_1 = vector.load %arg1[%get3A, %get3A_0] : memref<4096x768xf32, #tpu.memory_space<vmem>>, vector<4096x768xf32>
    %get3A_2 = arith.constant 0 : index
    %get3A_3 = arith.constant 0 : index
    %get3A_4 = vector.load %arg2[%get3A_2, %get3A_3] : memref<768x16xf32, #tpu.memory_space<vmem>>, vector<768x16xf32>
    %dot_general3A = arith.constant dense<0.000000e+00> : vector<4096x16xf32>
    %dot_general3A_5 = tpu.matmul %get3A_1, %get3A_4, %dot_general3A {dimension_numbers = #tpu.dot_dimension_numbers<[1], [0], [0], [1], [0, 0, 1, 1], [], []>, transpose_lhs_hint = false} : vector<4096x768xf32>, vector<768x16xf32>, vector<4096x16xf32> -> vector<4096x16xf32>
    %get3A_6 = arith.constant 0 : index
    %get3A_7 = vector.load %arg3[%get3A_6] : memref<16xf32, #tpu.memory_space<vmem>>, vector<16xf32>
    %broadcast_in_dim3A = vector.shape_cast %get3A_7 : vector<16xf32> to vector<1x16xf32>
    %add3A = vector.broadcast %broadcast_in_dim3A : vector<1x16xf32> to vector<4096x16xf32>
    %add3A_8 = arith.addf %dot_general3A_5, %add3A : vector<4096x16xf32>
    %slice3A = vector.extract_strided_slice %add3A_8 {offsets = [0, 0], sizes = [4096, 8], strides = [1, 1]} : vector<4096x16xf32> to vector<4096x8xf32>
    %slice3A_9 = vector.extract_strided_slice %add3A_8 {offsets = [0, 8], sizes = [4096, 8], strides = [1, 1]} : vector<4096x16xf32> to vector<4096x8xf32>
    %custom_jvp_call3A = arith.constant 0.000000e+00 : f32
    %max3A = vector.broadcast %custom_jvp_call3A : f32 to vector<4096x8xf32>
    %max3A_10 = arith.maximumf %slice3A_9, %max3A : vector<4096x8xf32>
    %sub3A = vector.broadcast %custom_jvp_call3A : f32 to vector<4096x8xf32>
    %sub3A_11 = arith.subf %slice3A_9, %sub3A : vector<4096x8xf32>
    %ne3A = arith.cmpf one, %sub3A_11, %sub3A_11 : vector<4096x8xf32>
    %add3A_12 = vector.broadcast %custom_jvp_call3A : f32 to vector<4096x8xf32>
    %add3A_13 = arith.addf %slice3A_9, %add3A_12 : vector<4096x8xf32>
    %abs3A = math.absf %sub3A_11 : vector<4096x8xf32>
    %neg3A = arith.constant 0.000000e+00 : f32
    %neg3A_14 = vector.broadcast %neg3A : f32 to vector<4096x8xf32>
    %neg3A_15 = arith.subf %neg3A_14, %abs3A : vector<4096x8xf32>
    %exp3A = math.exp %neg3A_15 : vector<4096x8xf32>
    %log1p3A = math.log1p %exp3A : vector<4096x8xf32>
    %add3A_16 = arith.addf %max3A_10, %log1p3A : vector<4096x8xf32>
    %select_n3A = arith.select %ne3A, %add3A_13, %add3A_16 : vector<4096x8xi1>, vector<4096x8xf32>
    %get3A_17 = arith.constant 0 : index
    %get3A_18 = arith.constant 0 : index
    %get3A_19 = vector.load %arg4[%get3A_17, %get3A_18] : memref<4096x8xf32, #tpu.memory_space<vmem>>, vector<4096x8xf32>
    %mul3A = arith.mulf %get3A_19, %select_n3A : vector<4096x8xf32>
    %add3A_20 = arith.addf %slice3A, %mul3A : vector<4096x8xf32>
    %transpose3A = tpu.transpose %add3A_20, [1, 0] : vector<4096x8xf32> -> vector<8x4096xf32>
    %swap3A = arith.constant 0 : index
    %swap3A_21 = arith.constant 0 : index
    %swap3A_22 = vector.load %arg5[%swap3A, %swap3A_21] : memref<8x4096xf32, #tpu.memory_space<vmem>>, vector<8x4096xf32>
    tpu.vector_store %arg5[%swap3A, %swap3A_21], %transpose3A {strides = array<i32>} : memref<8x4096xf32, #tpu.memory_space<vmem>>, vector<8x4096xf32>,
    return
  }
  func.func @transform_0(%arg0: i32) -> (i32, i32) {
    %add3A = arith.constant 0 : i32
    %add3A_0 = arith.addi %arg0, %add3A : i32
    %c0_i32 = arith.constant 0 : i32
    %c0_i32_1 = arith.constant 0 : i32
    return %add3A_0, %c0_i32 : i32, i32
  }
  func.func @transform_1(%arg0: i32) -> (i32, i32) {
    %c0_i32 = arith.constant 0 : i32
    %c0_i32_0 = arith.constant 0 : i32
    %c0_i32_1 = arith.constant 0 : i32
    return %c0_i32, %c0_i32_0 : i32, i32
  }
  func.func @transform_2(%arg0: i32) -> i32 {
    %c0_i32 = arith.constant 0 : i32
    %c0_i32_0 = arith.constant 0 : i32
    return %c0_i32 : i32
  }
  func.func @transform_3(%arg0: i32) -> (i32, i32) {
    %add3A = arith.constant 0 : i32
    %add3A_0 = arith.addi %arg0, %add3A : i32
    %c0_i32 = arith.constant 0 : i32
    %c0_i32_1 = arith.constant 0 : i32
    return %add3A_0, %c0_i32 : i32, i32
  }
  func.func @transform_4(%arg0: i32) -> (i32, i32) {
    %c0_i32 = arith.constant 0 : i32
    %c0_i32_0 = arith.constant 0 : i32
    return %c0_i32, %arg0 : i32, i32
  }
}

module attributes {stable_mosaic.version = 14 : i64} {
  func.func @_noisy_logits_body(%arg0: i32, %arg1: memref<4096x768xf32, #tpu.memory_space<vmem>>, %arg2: memref<768x16xf32, #tpu.memory_space<vmem>>, %arg3: memref<16xf32, #tpu.memory_space<vmem>>, %arg4: memref<4096x8xf32, #tpu.memory_space<vmem>>, %arg5: memref<8x4096xf32, #tpu.memory_space<vmem>>) attributes {dimension_semantics = [#tpu.dimension_semantics<arbitrary>], iteration_bounds = array<i64: 4>, scalar_prefetch = 0 : i64, scratch_operands = 0 : i64, tpu.core_type = #tpu.core_type<tc>, window_params = [{transform_indices = @transform_0, window_bounds = array<i64: 4096, 768>}, {pipeline_mode = #tpu.pipeline_mode<synchronous>, transform_indices = @transform_1, window_bounds = array<i64: 768, 16>}, {pipeline_mode = #tpu.pipeline_mode<synchronous>, transform_indices = @transform_2, window_bounds = array<i64: 16>}, {transform_indices = @transform_3, window_bounds = array<i64: 4096, 8>}, {transform_indices = @transform_4, window_bounds = array<i64: 8, 4096>}]} {
    %get3A = arith.constant 0 : index
    %get3A_0 = arith.constant 0 : index
    %get3A_1 = vector.load %arg1[%get3A, %get3A_0] : memref<4096x768xf32, #tpu.memory_space<vmem>>, vector<4096x768xf32>
    %get3A_2 = arith.constant 0 : index
    %get3A_3 = arith.constant 0 : index
    %get3A_4 = vector.load %arg2[%get3A_2, %get3A_3] : memref<768x16xf32, #tpu.memory_space<vmem>>, vector<768x16xf32>
    %dot_general3A = arith.constant dense<0.000000e+00> : vector<4096x16xf32>
    %dot_general3A_5 = tpu.matmul %get3A_1, %get3A_4, %dot_general3A {dimension_numbers = #tpu.dot_dimension_numbers<[1], [0], [0], [1], [0, 0, 1, 1], [], []>, transpose_lhs_hint = false} : vector<4096x768xf32>, vector<768x16xf32>, vector<4096x16xf32> -> vector<4096x16xf32>
    %get3A_6 = arith.constant 0 : index
    %get3A_7 = vector.load %arg3[%get3A_6] : memref<16xf32, #tpu.memory_space<vmem>>, vector<16xf32>
    %broadcast_in_dim3A = vector.shape_cast %get3A_7 : vector<16xf32> to vector<1x16xf32>
    %add3A = vector.broadcast %broadcast_in_dim3A : vector<1x16xf32> to vector<4096x16xf32>
    %add3A_8 = arith.addf %dot_general3A_5, %add3A : vector<4096x16xf32>
    %slice3A = vector.extract_strided_slice %add3A_8 {offsets = [0, 0], sizes = [4096, 8], strides = [1, 1]} : vector<4096x16xf32> to vector<4096x8xf32>
    %slice3A_9 = vector.extract_strided_slice %add3A_8 {offsets = [0, 8], sizes = [4096, 8], strides = [1, 1]} : vector<4096x16xf32> to vector<4096x8xf32>
    %custom_jvp_call3A = arith.constant 0.000000e+00 : f32
    %max3A = vector.broadcast %custom_jvp_call3A : f32 to vector<4096x8xf32>
    %max3A_10 = arith.maximumf %slice3A_9, %max3A : vector<4096x8xf32>
    %sub3A = vector.broadcast %custom_jvp_call3A : f32 to vector<4096x8xf32>
    %sub3A_11 = arith.subf %slice3A_9, %sub3A : vector<4096x8xf32>
    %ne3A = arith.cmpf one, %sub3A_11, %sub3A_11 : vector<4096x8xf32>
    %add3A_12 = vector.broadcast %custom_jvp_call3A : f32 to vector<4096x8xf32>
    %add3A_13 = arith.addf %slice3A_9, %add3A_12 : vector<4096x8xf32>
    %abs3A = math.absf %sub3A_11 : vector<4096x8xf32>
    %neg3A = arith.constant 0.000000e+00 : f32
    %neg3A_14 = vector.broadcast %neg3A : f32 to vector<4096x8xf32>
    %neg3A_15 = arith.subf %neg3A_14, %abs3A : vector<4096x8xf32>
    %exp3A = math.exp %neg3A_15 : vector<4096x8xf32>
    %log1p3A = math.log1p %exp3A : vector<4096x8xf32>
    %add3A_16 = arith.addf %max3A_10, %log1p3A : vector<4096x8xf32>
    %select_n3A = arith.select %ne3A, %add3A_13, %add3A_16 : vector<4096x8xi1>, vector<4096x8xf32>
    %get3A_17 = arith.constant 0 : index
    %get3A_18 = arith.constant 0 : index
    %get3A_19 = vector.load %arg4[%get3A_17, %get3A_18] : memref<4096x8xf32, #tpu.memory_space<vmem>>, vector<4096x8xf32>
    %mul3A = arith.mulf %get3A_19, %select_n3A : vector<4096x8xf32>
    %add3A_20 = arith.addf %slice3A, %mul3A : vector<4096x8xf32>
    %transpose3A = tpu.transpose %add3A_20, [1, 0] : vector<4096x8xf32> -> vector<8x4096xf32>
    %swap3A = arith.constant 0 : index
    %swap3A_21 = arith.constant 0 : index
    %swap3A_22 = vector.load %arg5[%swap3A, %swap3A_21] : memref<8x4096xf32, #tpu.memory_space<vmem>>, vector<8x4096xf32>
    tpu.vector_store %arg5[%swap3A, %swap3A_21], %transpose3A {strides = array<i32>} : memref<8x4096xf32, #tpu.memory_space<vmem>>, vector<8x4096xf32>,
    return
  }
  func.func @transform_0(%arg0: i32) -> (i32, i32) {
    %add3A = arith.constant 4 : i32
    %add3A_0 = arith.addi %arg0, %add3A : i32
    %c0_i32 = arith.constant 0 : i32
    %c0_i32_1 = arith.constant 0 : i32
    return %add3A_0, %c0_i32 : i32, i32
  }
  func.func @transform_1(%arg0: i32) -> (i32, i32) {
    %c0_i32 = arith.constant 0 : i32
    %c0_i32_0 = arith.constant 0 : i32
    %c0_i32_1 = arith.constant 0 : i32
    return %c0_i32, %c0_i32_0 : i32, i32
  }
  func.func @transform_2(%arg0: i32) -> i32 {
    %c0_i32 = arith.constant 0 : i32
    %c0_i32_0 = arith.constant 0 : i32
    return %c0_i32 : i32
  }
  func.func @transform_3(%arg0: i32) -> (i32, i32) {
    %add3A = arith.constant 4 : i32
    %add3A_0 = arith.addi %arg0, %add3A : i32
    %c0_i32 = arith.constant 0 : i32
    %c0_i32_1 = arith.constant 0 : i32
    return %add3A_0, %c0_i32 : i32, i32
  }
  func.func @transform_4(%arg0: i32) -> (i32, i32) {
    %c0_i32 = arith.constant 0 : i32
    %c0_i32_0 = arith.constant 0 : i32
    return %c0_i32, %arg0 : i32, i32
  }
}

</mosaic_0001>

<sc_bundles>
// kernel: kernel.6.cloned.1.call-start
scs
__scs_entry_jumppad:
0x0: {  	(pc) =	sbr.rel $0x88, $3  }
0x1: {  	(tag) =	ssettag $0x0;
	lr =	simm.s32 $0x1  }
0x2: {  	[smem:$0x3F9B] =	sst lr;
	_ =	strace $0xD0000000  }
0x3: {  	_ = 	snop  }
0x4: {  	_ = 	snop  }
0x5: {  	_ = 	snop  }
0x6: {  	_ = 	snop  }
0x7: {  	_ = 	snop  }
__scs_overlays_trampoline_lowered:
0x8: {  	[smem:$0x3FAA] =	sst s0  }
0x9: {  	[smem:$0x3FAB] =	sst s1  }
0xa: {  	[smem:$0x3FAC] =	sst s2  }
0xb: {  	[smem:$0x3FAD] =	sst s3  }
0xc: {  	[smem:$0x3FAE] =	sst s4  }
0xd: {  	[smem:$0x3FAF] =	sst s5  }
0xe: {  	[smem:$0x3FB0] =	sst s6  }
0xf: {  	[smem:$0x3FB1] =	sst s7  }
0x10: {  	[smem:$0x3FB2] =	sst s8  }
0x11: {  	[smem:$0x3FB3] =	sst s9;
	s0 =	simm.s32 @!p0 $0x0  }
0x12: {  	s1 =	sld [smem:$0x3F99];
	s0 =	simm.s32 @p0 $0x1  }
0x13: {  	[smem:$0x3FB4] =	sst s0;
	s0 =	simm.s32 @!p1 $0x0  }
0x14: {  	s2 =	sld [smem:$0x3F98];
	s0 =	simm.s32 @p1 $0x1  }
0x15: {  	[smem:$0x3FB5] =	sst s0;
	s0 =	simm.s32 @!p2 $0x0  }
0x16: {  	s3 =	sld [smem:$0x3FDB];
	s0 =	simm.s32 @p2 $0x1  }
0x17: {  	s4 =	simm.s32 $0x1BF5;
	[smem:$0x3FB7] =	sst s0  }
0x18: {  	s0 =	sld [smem:$0x3F9A];
	_ =	swait.ge [sflag:s4], $0x0  }
0x19: {  	s7 =	sld [smem:$0x3F9B]  }
0x1a: {  	s8 =	sadd.s32 $0xFFFFE003, lr  }
0x1b: {  	s9 =	sadd.s32 $0xFFFFFEF7, lr;
	s5 =	simm.s32 $0xFFFFFFFF;
	p2 =	slt.u32 s8, $0xFFFFF086  }
0x1c: {  	p1 =	slt.u32 s9, $0xF7A;
	s5 =	simm.s32 @!p2 $0x0  }
0x1d: {  	s5 =	simm.s32 @p1 $0x1;
	p0 =	seq.s32 s7, s2  }
0x1e: {  	s7 =	smul.u32 @!p0 $0xF7A, s2;
	p2 =	seq.s32 @!p0 s5, $0x0  }
0x1f: {  	s9 =	smul.u32 $0xF7A, s1;
	s8 =	simm.s32 @!p0 $0x1BF5;
	p2 =	por !p2, p0  }
0x20: {  	[sflag:s8] =	ssyncset.s32 @!p0 $0xFFFFF086;
	s6 =	sadd.s32 @!p0 s3, s7;
	s7 =	simm.s32 @!p0 $0x108  }
0x21: {  	s3 =	sadd.s32 s3, s9;
	s6 =	sadd.s32 @!p0 $0x88, s6;
	s7 =	simm.s32 @p2 $0x1082  }
0x22: {  	[simem:s7], [sflag:s8] =	dma.local @!p0 [hbm:s6], $0xF7A  }
0x23: {  	s9 =	sor.u32 $0xD0000000, s2;
	s6 =	simm.s32 $0x108;
	_ =	swait.ge @!p0 [sflag:s8], $0x0  }
0x24: {  	s3 =	sadd.s32 $0x88, s3;
	s6 =	simm.s32 @!p1 $0x1082;
	[sflag:s4] =	ssyncset.s32 $0xFFFFF086  }
0x25: {  	[simem:s6], [sflag:s4] =	dma.local [hbm:s3], $0xF7A  }
0x26: {  	[smem:$0x3F9B] =	sst s1;
	(tag) =	ssettag s2;
	_ =	strace s9  }
0x27: {  	s1 =	sld [smem:$0x3FAB]  }
0x28: {  	s2 =	sld [smem:$0x3FAC]  }
0x29: {  	s4 =	sld [smem:$0x3FAE]  }
0x2a: {  	p0 =	seq.s32 s5, $0x0;
	s5 =	sld [smem:$0x3FAF]  }
0x2b: {  	s6 =	sld [smem:$0x3FB0]  }
0x2c: {  	s7 =	sld [smem:$0x3FB1]  }
0x2d: {  	s3 =	simm.s32 $0x108;
	s8 =	sld [smem:$0x3FB2]  }
0x2e: {  	s3 =	simm.s32 @!p0 $0x1082;
	s9 =	sld [smem:$0x3FB3]  }
0x2f: {  	lr =	sadd.s32 s0, s3;
	s0 =	sld [smem:$0x3FAA]  }
0x30: {  	s3 =	sld [smem:$0x3FAD]  }
0x31: {  	[smem:$0x3FB6] =	sst s10  }
0x32: {  	s10 =	sld [smem:$0x3FB4];
	_ =	sdelay $0x3  }
0x33: {  	p0 =	seq.s32 s10, $0x1;
	s10 =	sld [smem:$0x3FB6];
	_ =	sdelay $0x3  }
0x34: {  	[smem:$0x3FB6] =	sst s10  }
0x35: {  	s10 =	sld [smem:$0x3FB5];
	_ =	sdelay $0x3  }
0x36: {  	p1 =	seq.s32 s10, $0x1;
	s10 =	sld [smem:$0x3FB6];
	_ =	sdelay $0x3  }
0x37: {  	[smem:$0x3FB6] =	sst s10  }
0x38: {  	s10 =	sld [smem:$0x3FB7]  }
0x39: {  	_ = 	snop;
	(pc) =	sbr.ind lr, $3  }
0x3a: {  	_ = 	snop  }
0x3b: {  	_ = 	snop  }
0x3c: {  	p2 =	seq.s32 s10, $0x1;
	s10 =	sld [smem:$0x3FB6]  }
0x3d: {  	_ =	shalt  }
0x3e: {  	_ =	shalt  }
0x3f: {  	_ =	shalt  }
0x40: {  	_ =	shalt  }
0x41: {  	_ =	shalt  }
0x42: {  	_ =	shalt  }
0x43: {  	_ =	shalt  }
0x44: {  	_ =	shalt  }
0x45: {  	_ =	shalt  }
0x46: {  	_ =	shalt  }
0x47: {  	_ =	shalt  }
0x48: {  	_ =	shalt  }
0x49: {  	_ =	shalt  }
0x4a: {  	_ =	shalt  }
0x4b: {  	_ =	shalt  }
0x4c: {  	_ =	shalt  }
0x4d: {  	_ =	shalt  }
0x4e: {  	_ =	shalt  }
0x4f: {  	_ =	shalt  }
0x50: {  	_ =	shalt  }
0x51: {  	_ =	shalt  }
0x52: {  	_ =	shalt  }
0x53: {  	_ =	shalt  }
0x54: {  	_ =	shalt  }
0x55: {  	_ =	shalt  }
0x56: {  	_ =	shalt  }
0x57: {  	_ =	shalt  }
0x58: {  	_ =	shalt  }
0x59: {  	_ =	shalt  }
0x5a: {  	_ =	shalt  }
0x5b: {  	_ =	shalt  }
0x5c: {  	_ =	shalt  }
0x5d: {  	_ =	shalt  }
0x5e: {  	_ =	shalt  }
0x5f: {  	_ =	shalt  }
0x60: {  	_ =	shalt  }
0x61: {  	_ =	shalt  }
0x62: {  	_ =	shalt  }
0x63: {  	_ =	shalt  }
0x64: {  	_ =	shalt  }
0x65: {  	_ =	shalt  }
0x66: {  	_ =	shalt  }
0x67: {  	_ =	shalt  }
0x68: {  	_ =	shalt  }
0x69: {  	_ =	shalt  }
0x6a: {  	_ =	shalt  }
0x6b: {  	_ =	shalt  }
0x6c: {  	_ =	shalt  }
0x6d: {  	_ =	shalt  }
0x6e: {  	_ =	shalt  }
0x6f: {  	_ =	shalt  }
0x70: {  	_ =	shalt  }
0x71: {  	_ =	shalt  }
0x72: {  	_ =	shalt  }
0x73: {  	_ =	shalt  }
0x74: {  	_ =	shalt  }
0x75: {  	_ =	shalt  }
0x76: {  	_ =	shalt  }
0x77: {  	_ =	shalt  }
0x78: {  	_ =	shalt  }
0x79: {  	_ =	shalt  }
0x7a: {  	_ =	shalt  }
0x7b: {  	_ =	shalt  }
0x7c: {  	_ =	shalt  }
0x7d: {  	_ =	shalt  }
0x7e: {  	_ =	shalt  }
0x7f: {  	_ =	shalt  }
0x80: {  	_ =	shalt  }
0x81: {  	_ =	shalt  }
0x82: {  	_ =	shalt  }
0x83: {  	_ =	shalt  }
0x84: {  	_ =	shalt  }
0x85: {  	_ =	shalt  }
0x86: {  	_ =	shalt  }
0x87: {  	_ =	shalt  }
.Lfunc_end0:
.L_simem_size_0:
called_computation_lowered:
.L_overlay_start_0:
0x88: {  	s2 =	sld [smem:$0x3FD9]  }
0x89: {  	s3 =	sld [smem:$0x3FFE];
	_ =	sdelay $0x1  }
0x8a: {  	s1 =	srdreg.scid  }
0x8b: {  	s0 =	sand.u32 $0x1, s1  }
0x8c: {  	s16 =	sshll.u32 s0, $0xA;
	s2 =	sadd.s32 s3, s2  }
0x8d: {  	s2 =	sadd.s32 s2, s16  }
0x8e: {  	[smem:$0x3FC2] =	sst s2  }
0x8f: {  	_ = 	snop  }
0x90: {  	(tm) =	ssettm $0x1  }
0x91: {  	s17 =	sld [smem:$0x3FFB];
	_ =	sdelay $0x3  }
0x92: {  	_ =	strace s17  }
0x93: {  	s2 =	sld [smem:$0x3FFC];
	_ =	sdelay $0x3  }
0x94: {  	_ =	strace s2  }
0x95: {  	s2 =	sld [smem:$0x3FFD];
	_ =	sdelay $0x3  }
0x96: {  	_ =	strace s2  }
0x97: {  	_ =	strace $0x8FFFFFFF  }
0x98: {  	s18 =	sld [smem:$0x3FDB];
	_ =	sdelay $0x1  }
0x99: {  	s19 =	simm.s32 $_scs_section_size  }
0x9a: {  	s4 =	simm.s32 $_size__tile_overlayer_lowered;
	s5 =	simm.s32 $_tile_overlayer_lowered  }
0x9b: {  	s22 =	simm.s32 $0x1BFF;
	s21 =	sshll.u32 s5, $0x1;
	s2 =	sadd.s32 s19, s18  }
0x9c: {  	s6 =	simm.s32 $0x0;
	s20 =	sshll.u32 s4, $0x1;
	s4 =	sadd.s32 s21, s2  }
0x9d: {  	[timem:s6], [sflag:s22] =	dma.local [hbm:s4], s20  }
0x9e: {  	_ =	swait.ge [sflag:s22], s20  }
0x9f: {  	s3 =	ssub.s32 $0x0, s20;
	[sflag:s22] =	ssyncset.done $0x0  }
0xa0: {  	[sflag:s22] =	ssyncadd.s32 s3;
	_ =	sdelay $0x1  }
0xa1: {  	s23 =	simm.s32 $0x1B8B  }
0xa2: {  	_ =	swait.ge [sflag:s23], $0x1  }
0xa3: {  	[sflag:s23] =	ssyncset.done $0x0  }
0xa4: {  	s25 =	simm.s32 $0x1B8E;
	s24 =	sld [smem:$0x3FFE];
	[sflag:s23] =	ssyncadd.s32 $0xFFFFFFFF  }
0xa5: {  	s26 =	simm.s32 $execute0_lowered;
	[smem:$0x3FD2] =	sst s25  }
0xa6: {  	s4 =	sshll.u32 s26, $0x1;
	_ =	strace $0x80000046;
	[dreg:$0x1] =	wrdreg $0xFFFFFFFF  }
0xa7: {  	s28 =	simm.s32 $_size_execute0_lowered;
	s2 =	sadd.s32 s2, s4;
	[dreg:$0x0] =	wrdreg $0x0  }
0xa8: {  	s4 =	sshll.u32 s28, $0x1;
	[dreg:$0x2] =	wrdreg s2  }
0xa9: {  	[dreg:$0x3] =	wrdreg s4  }
0xaa: {  	[dreg:$0x4] =	wrdreg $0xC0  }
0xab: {  	_ =	task [dreg:s6], $0x5FFFF  }
0xac: {  	[dreg:$0x1] =	wrdreg $0xFFFFFFFF  }
0xad: {  	[dreg:$0x0] =	wrdreg $0x60  }
0xae: {  	[dreg:$0x2] =	wrdreg s24  }
0xaf: {  	[dreg:$0x3] =	wrdreg $0x9  }
0xb0: {  	_ =	task.clear_ibuf [dreg:s6], $0x4FFFF;
	_ =	strace $0x90000046  }
0xb1: {  	s29 =	simm.s32 $0x9;
	_ =	strace $0x80000048  }
0xb2: {  	_ =	swait.ge [sflag:s29], $0x1  }
0xb3: {  	[sflag:s29] =	ssyncadd.s32 $0xFFFFFFFF  }
0xb4: {  	_ =	strace $0x90000048  }
0xb5: {  	_ =	sfence  }
0xb6: {  	s30 =	sld [smem:$0x0];
	_ =	sdelay $0x2  }
0xb7: {  	s31 =	sshll.u32 s1, $0xD;
	s1 =	sshrl.u32 s1, $0x2  }
0xb8: {  	s3 =	sand.u32 $0x4000, s31;
	s1 =	sadd.s32 s1, s30  }
0xb9: {  	s0 =	sor.u32 s3, s0;
	s1 =	sshll.u32 s1, $0x11  }
0xba: {  	s0 =	sor.u32 s1, s0  }
0xbb: {  	s0 =	sadd.s32 $0x8F2B, s0  }
0xbc: {  	[sflag:s0] =	ssyncadd.remote.s32 $0x1  }
0xbd: {  	_ =	sfence.sel $0xFFFF  }
0xbe: {  	[dreg:$0x0] =	wrdreg $0xFFFFFFFF;
	(pc) =	sbr.abs _section_cstart, $3  }
0xbf: {  	[dreg:$0x1] =	wrdreg $0xFFFFFFFF  }
0xc0: {  	_ =	task.clear_ibuf [dreg:s6], $0x2FFFF;
	_ =	strace $0x9FFFFFFF  }
0xc1: {  	(tm) =	ssettm $0x7FFFFFFF  }
tec
execute0_lowered:
.L_overlay_start_1:
0x0: {  	(tag) =	ssettag $0x1  }
0x1: {  	s3 =	rddreg [dreg:$0x0];
	s2 =	simm.s32 $0x0;
	s4 =	srdreg.scid  }
0x2: {  	s1 =	stileid.u32;
	s9 =	simm.s32 $0x2400;
	s10 =	simm.s32 $0x2480  }
0x3: {  	s11 =	simm.s32 $0x2500;
	s12 =	simm.s32 $0x2580;
	s13 =	simm.s32 $0x2600  }
0x4: {  	s14 =	simm.s32 $0x2680;
	s15 =	simm.s32 $0x2700;
	s16 =	simm.s32 $0x2780  }
0x5: {  	s17 =	simm.s32 $0x1000;
	s18 =	simm.s32 $0x2000;
	s19 =	simm.s32 $0x0  }
0x6: {  	[smem:$0x7FF] =	sst s2;
	s4 =	sand.u32 $0x1, s4;
	s5 =	sshll.u32 s1, $0x1  }
0x7: {  	_ =	strace $0x80000047;
	s5 =	sor.u32 s4, s5;
	s4 =	ssub.s32 $0x2, s4  }
0x8: {  	s6 =	sshll.u32 s5, $0x9;
	s5 =	sshll.u32 s5, $0x7;
	s31 =	sshrl.u32 s4, $0x1  }
0x9: {  	s6 =	sadd.s32 s6, s3;
	s7 =	sadd.s32 s5, s3;
	s8 =	ssub.s32 s4, s31  }
0xa: {  	s3 =	sadd.s32 $0xA00, s6;
	s4 =	sadd.s32 $0x5A00, s6;
	s5 =	sadd.s32 $0x9A00, s7  }
0xb: {  	v0 =	vimm.f32 $0.0e+00;
	v1 =	vimm.s32 $0x7;
	s6 =	sadd.s32 $0x4A00, s7;
	s7 =	smax.u32 s8, $0x1;
	s8 =	simm.s32 $0x1  }
.LBB2_1:
0xc: {  	[tilespmem:s2], [sflag:$0x1] =	stream.linear.gather [hbm4b:s3+s2], $0x1000, $0x38;
	[tilespmem:$0x2800] =	vst v63  }
0xd: {  	_ =	swait.ge [sflag:s8], $0x1000  }
0xe: {  	[sflag:s8] =	ssyncset.done $0x0  }
0xf: {  	[sflag:s8] =	ssyncadd.s32 $0xFFFFF000  }
0x10: {  	[tilespmem:$0x2400] =	vst v0  }
0x11: {  	[tilespmem:$0x2480] =	vst v0  }
0x12: {  	[tilespmem:$0x2500] =	vst v0  }
0x13: {  	[tilespmem:$0x2580] =	vst v0  }
0x14: {  	[tilespmem:$0x2600] =	vst v0  }
0x15: {  	[tilespmem:$0x2680] =	vst v0  }
0x16: {  	s20 =	sand.u32 $0x70, s2;
	s24 =	sand.u32 $0x7FFFFC00, s2;
	[tilespmem:$0x2700] =	vst v0  }
0x17: {  	s21 =	sor.u32 s20, s24;
	[tilespmem:$0x2780] =	vst v0  }
0x18: {  	s22 =	sand.u32 $0xFFFFFC00, s2;
	v3 =	vld [tilespmem:s21+$0x0]  }
0x19: {  	s22 =	sadd.s32 $0x0, s22;
	v4 =	vld [tilespmem:s21+$0x80]  }
0x1a: {  	s23 =	sor.u32 $0x180, s22;
	v5 =	vld [tilespmem:s21+$0x100]  }
0x1b: {  	v6 =	vld [tilespmem:s23+$0x0]  }
0x1c: {  	v7 =	vld [tilespmem:s21+$0x200]  }
0x1d: {  	v8 =	vld [tilespmem:s21+$0x280]  }
0x1e: {  	s22 =	sor.u32 $0x380, s22;
	v9 =	vld [tilespmem:s21+$0x300];
	v2 =	vmax.f32 v3, v4  }
0x1f: {  	v10 =	vld [tilespmem:s22+$0x0];
	v2 =	vmax.f32 v2, v5  }
0x20: {  	v2 =	vmax.f32 v2, v6  }
0x21: {  	v2 =	vmax.f32 v2, v7  }
0x22: {  	v2 =	vmax.f32 v2, v8  }
0x23: {  	v2 =	vmax.f32 v2, v9  }
0x24: {  	v11 =	vmax.f32 v2, v10  }
0x25: {  	vm0 =	veq.f32 v9, v11  }
0x26: {  	v2 =	vsel vm0, $0x6, v1;
	vm0 =	veq.f32 v8, v11  }
0x27: {  	v2 =	vsel vm0, $0x5, v2;
	vm0 =	veq.f32 v7, v11  }
0x28: {  	vm1 =	veq.f32 v6, v11;
	v2 =	vsel vm0, $0x4, v2  }
0x29: {  	vm0 =	veq.f32 v5, v11;
	v2 =	vsel vm1, $0x3, v2  }
0x2a: {  	vm1 =	veq.f32 v4, v11;
	v2 =	vsel vm0, $0x2, v2  }
0x2b: {  	vm6 =	vne.f32 v3, v11;
	v2 =	vsel vm1, $0x1, v2  }
0x2c: {  	vm3 =	vmand vm6, vm1;
	v2 =	vnsel vm6, $0x0, v2  }
0x2d: {  	v3 =	vnsel vm6, $0xF149F2CA, v3;
	v4 =	vsel vm3, $0xF149F2CA, v4;
	vm4 =	veq.s32 v2, $0x2  }
0x2e: {  	v12 =	vmax.f32 v3, v4;
	vm7 =	veq.s32 v2, $0x3;
	v5 =	vsel vm4, $0xF149F2CA, v5  }
0x2f: {  	vm5 =	veq.s32 v2, $0x4;
	v6 =	vsel vm7, $0xF149F2CA, v6;
	v12 =	vmax.f32 v12, v5  }
0x30: {  	vm0 =	veq.s32 v2, $0x5;
	v7 =	vsel vm5, $0xF149F2CA, v7;
	v12 =	vmax.f32 v12, v6  }
0x31: {  	vm1 =	veq.s32 v2, $0x6;
	v8 =	vsel vm0, $0xF149F2CA, v8;
	v12 =	vmax.f32 v12, v7  }
0x32: {  	vm2 =	veq.s32 v2, $0x7;
	v9 =	vsel vm1, $0xF149F2CA, v9;
	v12 =	vmax.f32 v12, v8  }
0x33: {  	v10 =	vsel vm2, $0xF149F2CA, v10;
	v12 =	vmax.f32 v12, v9  }
0x34: {  	v10 =	vmax.f32 v12, v10  }
0x35: {  	v11 =	vsub.f32 v10, v11;
	_ =	sdelay $0x1  }
0x36: {  	v11 =	vmul.f32 $1.442695020e+00, v11;
	_ =	sdelay $0x1  }
0x37: {  	(erf) = vpow2.f32 v11;
	_ =	sdelay $0x8  }
0x38: {  	v11 =	vpop (erf)  }
0x39: {  	v62 =	vadd.f32 $1.000000000e+00, v11;
	_ =	sdelay $0x1  }
0x3a: {  	(erf) = vrcp.f32 v62  }
0x3b: {  	vm8 =	veq.f32 v9, v10  }
0x3c: {  	vm9 =	veq.f32 v8, v10;
	v63 =	vsel vm8, $0x6, v1  }
0x3d: {  	vm8 =	veq.f32 v7, v10;
	v7 =	vsel vm9, $0x5, v63  }
0x3e: {  	vm9 =	veq.f32 v6, v10;
	v6 =	vsel vm8, $0x4, v7  }
0x3f: {  	vm8 =	veq.f32 v5, v10;
	v5 =	vsel vm9, $0x3, v6  }
0x40: {  	vm9 =	veq.f32 v4, v10;
	v4 =	vsel vm8, $0x2, v5;
	_ =	sdelay $0x2  }
0x41: {  	vm8 =	vne.f32 v3, v10;
	v3 =	vsel vm9, $0x1, v4;
	v4 =	vpop (erf)  }
0x42: {  	s25 =	simm.s32 $0x80;
	s26 =	simm.s32 $0x0;
	s24 =	sshrl.u32 s24, $0x2;
	vm9 =	vmand vm8, vm9;
	v3 =	vnsel vm8, $0x0, v3;
	v5 =	vmul.f32 v4, v11  }
.LBB2_2:
0x43: {  	p0 =	sne.s32 s25, $0xF80  }
0x44: {  	vm10 =	veq.s32 v3, $0x2;
	vm11 =	veq.s32 v3, $0x3;
	vm12 =	veq.s32 v3, $0x6;
	s26 =	sadd.s32 $0x10, s26;
	s29 =	smov.u32 s25;
	s25 =	sadd.s32 $0x80, s25  }
0x45: {  	s28 =	sand.u32 $0x70, s26;
	s30 =	sand.u32 $0x7FFFFC00, s29;
	v6 =	vsel vm8, $0x0, v5;
	v7 =	vnsel vm9, $0x0, v5;
	vm8 =	veq.s32 v3, $0x4  }
0x46: {  	v8 =	vnsel vm10, $0x0, v5;
	v9 =	vnsel vm11, $0x0, v5;
	s31 =	sor.u32 s28, s30;
	s30 =	sshrl.u32 s30, $0x2;
	v6 =	vsel vm6, v6, v4  }
0x47: {  	s29 =	sand.u32 $0xFFFFFC00, s29;
	v9 =	vsel vm7, v4, v9;
	v10 =	vnsel vm8, $0x0, v5;
	vm6 =	veq.s32 v3, $0x5;
	[tilespmem:s21+$0x1000] =	vst v6  }
0x48: {  	s29 =	sadd.s32 s29, s26;
	[tilespmem:s9+$0x0] =	vst.add.f32.msk $0xffff, v6;
	v6 =	vsel vm3, v4, v7;
	v7 =	vsel vm5, v4, v10;
	vm3 =	veq.s32 v3, $0x7  }
0x49: {  	v8 =	vsel vm4, v4, v8;
	s0 =	sor.u32 $0x180, s29;
	v10 =	vnsel vm12, $0x0, v5;
	[tilespmem:s21+$0x1080] =	vst v6;
	v11 =	vnsel vm3, $0x0, v5  }
0x4a: {  	v5 =	vnsel vm6, $0x0, v5;
	[tilespmem:s10+$0x0] =	vst.add.f32.msk $0xffff, v6;
	v6 =	vsel vm1, v4, v10;
	v10 =	vsel vm2, v4, v11  }
0x4b: {  	v4 =	vsel vm0, v4, v5;
	[tilespmem:s21+$0x1100] =	vst v8  }
0x4c: {  	[tilespmem:s11+$0x0] =	vst.add.f32.msk $0xffff, v8  }
0x4d: {  	s29 =	sor.u32 $0x380, s29;
	[tilespmem:s23+$0x1000] =	vst v9;
	s23 =	smov.u32 s0  }
0x4e: {  	[tilespmem:s12+$0x0] =	vst.add.f32.msk $0xffff, v9  }
0x4f: {  	[tilespmem:s21+$0x1200] =	vst v7  }
0x50: {  	[tilespmem:s13+$0x0] =	vst.add.f32.msk $0xffff, v7  }
0x51: {  	[tilespmem:s21+$0x1280] =	vst v4  }
0x52: {  	[tilespmem:s14+$0x0] =	vst.add.f32.msk $0xffff, v4  }
0x53: {  	[tilespmem:s21+$0x1300] =	vst v6;
	s21 =	smov.u32 s31  }
0x54: {  	[tilespmem:s15+$0x0] =	vst.add.f32.msk $0xffff, v6  }
0x55: {  	[tilespmem:s22+$0x1000] =	vst v10;
	s22 =	smov.u32 s29  }
0x56: {  	s0 =	sor.u32 s20, s24;
	s20 =	smov.u32 s28;
	s24 =	smov.u32 s30;
	[tilespmem:s16+$0x0] =	vst.add.f32.msk $0xffff, v10  }
0x57: {  	[tilespmem:s0+$0x2000] =	vst v2  }
0x58: {  	[tilespmem:s0+$0x2080] =	vst v3  }
0x59: {  	v2 =	vld [tilespmem:s21+$0x0]  }
0x5a: {  	v3 =	vld [tilespmem:s21+$0x80]  }
0x5b: {  	v4 =	vld [tilespmem:s21+$0x100]  }
0x5c: {  	v5 =	vld [tilespmem:s23+$0x0]  }
0x5d: {  	v6 =	vld [tilespmem:s21+$0x200]  }
0x5e: {  	v7 =	vld [tilespmem:s21+$0x280]  }
0x5f: {  	v8 =	vld [tilespmem:s21+$0x300];
	v9 =	vmax.f32 v2, v3  }
0x60: {  	v10 =	vld [tilespmem:s22+$0x0];
	v9 =	vmax.f32 v9, v4  }
0x61: {  	v9 =	vmax.f32 v9, v5  }
0x62: {  	v9 =	vmax.f32 v9, v6  }
0x63: {  	v9 =	vmax.f32 v9, v7  }
0x64: {  	v9 =	vmax.f32 v9, v8  }
0x65: {  	v9 =	vmax.f32 v9, v10  }
0x66: {  	vm0 =	veq.f32 v8, v9;
	vm1 =	veq.f32 v5, v9;
	vm2 =	veq.f32 v4, v9  }
0x67: {  	vm4 =	veq.f32 v3, v9;
	v11 =	vsel vm0, $0x6, v1;
	vm0 =	veq.f32 v7, v9  }
0x68: {  	v11 =	vsel vm0, $0x5, v11;
	vm0 =	veq.f32 v6, v9  }
0x69: {  	v11 =	vsel vm0, $0x4, v11  }
0x6a: {  	vm6 =	vne.f32 v2, v9;
	v11 =	vsel vm1, $0x3, v11  }
0x6b: {  	v12 =	vnsel vm6, $0xF149F2CA, v2;
	vm3 =	vmand vm6, vm4;
	v11 =	vsel vm2, $0x2, v11  }
0x6c: {  	v3 =	vsel vm3, $0xF149F2CA, v3;
	v2 =	vsel vm4, $0x1, v11  }
0x6d: {  	v11 =	vmax.f32 v12, v3;
	v2 =	vnsel vm6, $0x0, v2  }
0x6e: {  	vm4 =	veq.s32 v2, $0x2;
	vm7 =	veq.s32 v2, $0x3;
	vm5 =	veq.s32 v2, $0x4  }
0x6f: {  	vm0 =	veq.s32 v2, $0x5;
	vm1 =	veq.s32 v2, $0x6;
	v4 =	vsel vm4, $0xF149F2CA, v4  }
0x70: {  	vm2 =	veq.s32 v2, $0x7;
	v5 =	vsel vm7, $0xF149F2CA, v5;
	v11 =	vmax.f32 v11, v4  }
0x71: {  	v6 =	vsel vm5, $0xF149F2CA, v6;
	v11 =	vmax.f32 v11, v5  }
0x72: {  	v7 =	vsel vm0, $0xF149F2CA, v7;
	v11 =	vmax.f32 v11, v6  }
0x73: {  	v8 =	vsel vm1, $0xF149F2CA, v8;
	v11 =	vmax.f32 v11, v7  }
0x74: {  	v10 =	vsel vm2, $0xF149F2CA, v10;
	v11 =	vmax.f32 v11, v8  }
0x75: {  	v10 =	vmax.f32 v11, v10  }
0x76: {  	vm8 =	veq.f32 v8, v10;
	vm9 =	veq.f32 v7, v10;
	v7 =	vsub.f32 v10, v9  }
0x77: {  	vm10 =	veq.f32 v5, v10;
	v8 =	vsel vm8, $0x6, v1;
	vm8 =	veq.f32 v6, v10  }
0x78: {  	vm11 =	veq.f32 v4, v10;
	v5 =	vsel vm9, $0x5, v8;
	v4 =	vmul.f32 $1.442695020e+00, v7  }
0x79: {  	vm12 =	veq.f32 v3, v10;
	v5 =	vsel vm8, $0x4, v5;
	vm8 =	vne.f32 v12, v10  }
0x7a: {  	v3 =	vsel vm10, $0x3, v5;
	vm9 =	vmand vm8, vm12;
	(erf) = vpow2.f32 v4  }
0x7b: {  	v3 =	vsel vm11, $0x2, v3  }
0x7c: {  	v3 =	vsel vm12, $0x1, v3;
	_ =	sdelay $0x6  }
0x7d: {  	v5 =	vpop (erf)  }
0x7e: {  	v4 =	vadd.f32 $1.000000000e+00, v5;
	_ =	sdelay $0x1  }
0x7f: {  	(erf) = vrcp.f32 v4;
	_ =	sdelay $0x5  }
.Ltmp0:
0x80: {  	(pc) =	sbr.rel @p0 .LBB2_2-.Ltmp0, $3  }
0x81: {  	_ =	sdelay $0x1  }
0x82: {  	v4 =	vpop (erf)  }
0x83: {  	v3 =	vnsel vm8, $0x0, v3;
	v5 =	vmul.f32 v4, v5  }
0x84: {  	_ = 	snop  }
0x85: {  	v6 =	vsel vm8, $0x0, v5  }
0x86: {  	v6 =	vsel vm6, v6, v4  }
0x87: {  	v7 =	vnsel vm9, $0x0, v5;
	[tilespmem:s21+$0x1000] =	vst v6  }
0x88: {  	vm10 =	veq.s32 v3, $0x2;
	v56 =	vsel vm3, v4, v7;
	[tilespmem:s9+$0x0] =	vst.add.f32.msk $0xffff, v6  }
0x89: {  	v57 =	vnsel vm10, $0x0, v5;
	[tilespmem:s21+$0x1080] =	vst v56  }
0x8a: {  	vm11 =	veq.s32 v3, $0x3;
	v7 =	vsel vm4, v4, v57;
	[tilespmem:s10+$0x0] =	vst.add.f32.msk $0xffff, v56  }
0x8b: {  	v58 =	vnsel vm11, $0x0, v5;
	[tilespmem:s21+$0x1100] =	vst v7  }
0x8c: {  	vm12 =	veq.s32 v3, $0x4;
	v6 =	vsel vm7, v4, v58;
	[tilespmem:s11+$0x0] =	vst.add.f32.msk $0xffff, v7  }
0x8d: {  	v59 =	vnsel vm12, $0x0, v5;
	[tilespmem:s23+$0x1000] =	vst v6  }
0x8e: {  	vm13 =	veq.s32 v3, $0x5;
	v7 =	vsel vm5, v4, v59;
	[tilespmem:s12+$0x0] =	vst.add.f32.msk $0xffff, v6  }
0x8f: {  	v60 =	vnsel vm13, $0x0, v5;
	[tilespmem:s21+$0x1200] =	vst v7  }
0x90: {  	vm14 =	veq.s32 v3, $0x6;
	v6 =	vsel vm0, v4, v60;
	[tilespmem:s13+$0x0] =	vst.add.f32.msk $0xffff, v7  }
0x91: {  	v61 =	vnsel vm14, $0x0, v5;
	[tilespmem:s21+$0x1280] =	vst v6  }
0x92: {  	vm15 =	veq.s32 v3, $0x7;
	v7 =	vsel vm1, v4, v61;
	[tilespmem:s14+$0x0] =	vst.add.f32.msk $0xffff, v6  }
0x93: {  	v62 =	vnsel vm15, $0x0, v5;
	[tilespmem:s21+$0x1300] =	vst v7  }
0x94: {  	v63 =	vsel vm2, v4, v62;
	[tilespmem:s15+$0x0] =	vst.add.f32.msk $0xffff, v7  }
0x95: {  	[tilespmem:s22+$0x1000] =	vst v63  }
0x96: {  	s0 =	sor.u32 s20, s24;
	[tilespmem:s16+$0x0] =	vst.add.f32.msk $0xffff, v63  }
0x97: {  	[tilespmem:s0+$0x2000] =	vst v2  }
0x98: {  	[tilespmem:s0+$0x2080] =	vst v3  }
0x99: {  	[hbm4b:s4+s2] =	stream.linear.scatter [tilespmem:s17], [sflag:$0x1], $0x1000, $0x38;
	[tilespmem:$0x2800] =	vst v63  }
0x9a: {  	_ =	swait.ge [sflag:s8], $0x1000  }
0x9b: {  	[sflag:s8] =	ssyncset.done $0x0  }
0x9c: {  	[sflag:s8] =	ssyncadd.s32 $0xFFFFF000  }
0x9d: {  	[hbm4b:s5+s2] =	stream.linear.scatter [tilespmem:s18], [sflag:$0x1], $0x400, $0x38;
	[tilespmem:$0x2800] =	vst v63  }
0x9e: {  	s19 =	sadd.s32 $0x1, s19;
	_ =	swait.ge [sflag:s8], $0x400  }
0x9f: {  	p0 =	sne.s32 s19, s7;
	[sflag:s8] =	ssyncset.done $0x0  }
.Ltmp1:
0xa0: {  	[sflag:s8] =	ssyncadd.s32 $0xFFFFFC00;
	(pc) =	sbr.rel @p0 .LBB2_1-.Ltmp1, $4  }
0xa1: {  	[hbm4b:s6+s2] =	stream.linear.scatter [tilespmem:s9], [sflag:$0x1], $0x400, $0x38;
	[tilespmem:$0x2800] =	vst v63  }
0xa2: {  	_ =	swait.ge [sflag:s8], $0x400  }
0xa3: {  	[sflag:s8] =	ssyncset.done $0x0  }
0xa4: {  	[sflag:s8] =	ssyncadd.s32 $0xFFFFFC00  }
0xa5: {  	_ =	sfence.sel $0x180000  }
0xa6: {  	[bflag:$0x0] =	sbarrier.arrive $0xFFFF  }
0xa7: {  	_ =	strace $0x90000047  }
0xa8: {  	[bflag:$0x2] =	sbarrier.arrive $0xFFFF  }
0xa9: {  	p0 =	sne.s32 s1, $0x0;
	s0 =	rddreg [dreg:$0x1]  }
0xaa: {  	s0 =	sadd.s32 @!p0 $0x100000, s0  }
0xab: {  	[sflag:s0] =	ssyncadd.tile.s32 @!p0 $0x1;
	_ =	shalt  }
.Lfunc_end2:
_tile_overlayer_lowered:
.L_overlay_start_2:
0xac: {  	(tag) =	ssettag $0x2  }
0xad: {  	s0 =	rddreg [dreg:$0x0];
	s2 =	stileid.u32  }
0xae: {  	s1 =	rddreg [dreg:$0x1];
	p0 =	sne.s32 s2, $0x0  }
0xaf: {  	s3 =	rddreg [dreg:$0x2];
	[bflag:$0x3] =	sbarrier.arrive $0xFFFF;
	s2 =	simm.s32 @!p0 $0x1C01  }
0xb0: {  	[timem:s3], [sflag:s2] =	dma.local @!p0 [hbm:s0], s1  }
0xb1: {  	s0 =	simm.s32 @!p0 $0x1  }
0xb2: {  	_ =	swait.ge @!p0 [sflag:s0], s1  }
0xb3: {  	s1 =	ssub.s32 @!p0 $0x0, s1;
	[sflag:s0] =	ssyncset.done @!p0 $0x0  }
0xb4: {  	[sflag:s0] =	ssyncadd.s32 @!p0 s1  }
0xb5: {  	[bflag:$0x3] =	sbarrier.arrive $0xFFFF  }
0xb6: {  	_ =	shalt  }

// kernel: kernel.9.cloned.1.call-start
scs
__scs_entry_jumppad:
0x0: {  	(pc) =	sbr.rel $0x88, $3  }
0x1: {  	(tag) =	ssettag $0x0;
	lr =	simm.s32 $0x1  }
0x2: {  	[smem:$0x3F9B] =	sst lr;
	_ =	strace $0xD0000000  }
0x3: {  	_ = 	snop  }
0x4: {  	_ = 	snop  }
0x5: {  	_ = 	snop  }
0x6: {  	_ = 	snop  }
0x7: {  	_ = 	snop  }
__scs_overlays_trampoline_lowered:
0x8: {  	[smem:$0x3FAA] =	sst s0  }
0x9: {  	[smem:$0x3FAB] =	sst s1  }
0xa: {  	[smem:$0x3FAC] =	sst s2  }
0xb: {  	[smem:$0x3FAD] =	sst s3  }
0xc: {  	[smem:$0x3FAE] =	sst s4  }
0xd: {  	[smem:$0x3FAF] =	sst s5  }
0xe: {  	[smem:$0x3FB0] =	sst s6  }
0xf: {  	[smem:$0x3FB1] =	sst s7  }
0x10: {  	[smem:$0x3FB2] =	sst s8  }
0x11: {  	[smem:$0x3FB3] =	sst s9;
	s0 =	simm.s32 @!p0 $0x0  }
0x12: {  	s1 =	sld [smem:$0x3F99];
	s0 =	simm.s32 @p0 $0x1  }
0x13: {  	[smem:$0x3FB4] =	sst s0;
	s0 =	simm.s32 @!p1 $0x0  }
0x14: {  	s2 =	sld [smem:$0x3F98];
	s0 =	simm.s32 @p1 $0x1  }
0x15: {  	[smem:$0x3FB5] =	sst s0;
	s0 =	simm.s32 @!p2 $0x0  }
0x16: {  	s3 =	sld [smem:$0x3FDB];
	s0 =	simm.s32 @p2 $0x1  }
0x17: {  	s4 =	simm.s32 $0x1BF5;
	[smem:$0x3FB7] =	sst s0  }
0x18: {  	s0 =	sld [smem:$0x3F9A];
	_ =	swait.ge [sflag:s4], $0x0  }
0x19: {  	s7 =	sld [smem:$0x3F9B]  }
0x1a: {  	s8 =	sadd.s32 $0xFFFFE003, lr  }
0x1b: {  	s9 =	sadd.s32 $0xFFFFFEF7, lr;
	s5 =	simm.s32 $0xFFFFFFFF;
	p2 =	slt.u32 s8, $0xFFFFF086  }
0x1c: {  	p1 =	slt.u32 s9, $0xF7A;
	s5 =	simm.s32 @!p2 $0x0  }
0x1d: {  	s5 =	simm.s32 @p1 $0x1;
	p0 =	seq.s32 s7, s2  }
0x1e: {  	s7 =	smul.u32 @!p0 $0xF7A, s2;
	p2 =	seq.s32 @!p0 s5, $0x0  }
0x1f: {  	s9 =	smul.u32 $0xF7A, s1;
	s8 =	simm.s32 @!p0 $0x1BF5;
	p2 =	por !p2, p0  }
0x20: {  	[sflag:s8] =	ssyncset.s32 @!p0 $0xFFFFF086;
	s6 =	sadd.s32 @!p0 s3, s7;
	s7 =	simm.s32 @!p0 $0x108  }
0x21: {  	s3 =	sadd.s32 s3, s9;
	s6 =	sadd.s32 @!p0 $0x88, s6;
	s7 =	simm.s32 @p2 $0x1082  }
0x22: {  	[simem:s7], [sflag:s8] =	dma.local @!p0 [hbm:s6], $0xF7A  }
0x23: {  	s9 =	sor.u32 $0xD0000000, s2;
	s6 =	simm.s32 $0x108;
	_ =	swait.ge @!p0 [sflag:s8], $0x0  }
0x24: {  	s3 =	sadd.s32 $0x88, s3;
	s6 =	simm.s32 @!p1 $0x1082;
	[sflag:s4] =	ssyncset.s32 $0xFFFFF086  }
0x25: {  	[simem:s6], [sflag:s4] =	dma.local [hbm:s3], $0xF7A  }
0x26: {  	[smem:$0x3F9B] =	sst s1;
	(tag) =	ssettag s2;
	_ =	strace s9  }
0x27: {  	s1 =	sld [smem:$0x3FAB]  }
0x28: {  	s2 =	sld [smem:$0x3FAC]  }
0x29: {  	s4 =	sld [smem:$0x3FAE]  }
0x2a: {  	p0 =	seq.s32 s5, $0x0;
	s5 =	sld [smem:$0x3FAF]  }
0x2b: {  	s6 =	sld [smem:$0x3FB0]  }
0x2c: {  	s7 =	sld [smem:$0x3FB1]  }
0x2d: {  	s3 =	simm.s32 $0x108;
	s8 =	sld [smem:$0x3FB2]  }
0x2e: {  	s3 =	simm.s32 @!p0 $0x1082;
	s9 =	sld [smem:$0x3FB3]  }
0x2f: {  	lr =	sadd.s32 s0, s3;
	s0 =	sld [smem:$0x3FAA]  }
0x30: {  	s3 =	sld [smem:$0x3FAD]  }
0x31: {  	[smem:$0x3FB6] =	sst s10  }
0x32: {  	s10 =	sld [smem:$0x3FB4];
	_ =	sdelay $0x3  }
0x33: {  	p0 =	seq.s32 s10, $0x1;
	s10 =	sld [smem:$0x3FB6];
	_ =	sdelay $0x3  }
0x34: {  	[smem:$0x3FB6] =	sst s10  }
0x35: {  	s10 =	sld [smem:$0x3FB5];
	_ =	sdelay $0x3  }
0x36: {  	p1 =	seq.s32 s10, $0x1;
	s10 =	sld [smem:$0x3FB6];
	_ =	sdelay $0x3  }
0x37: {  	[smem:$0x3FB6] =	sst s10  }
0x38: {  	s10 =	sld [smem:$0x3FB7]  }
0x39: {  	_ = 	snop;
	(pc) =	sbr.ind lr, $3  }
0x3a: {  	_ = 	snop  }
0x3b: {  	_ = 	snop  }
0x3c: {  	p2 =	seq.s32 s10, $0x1;
	s10 =	sld [smem:$0x3FB6]  }
0x3d: {  	_ =	shalt  }
0x3e: {  	_ =	shalt  }
0x3f: {  	_ =	shalt  }
0x40: {  	_ =	shalt  }
0x41: {  	_ =	shalt  }
0x42: {  	_ =	shalt  }
0x43: {  	_ =	shalt  }
0x44: {  	_ =	shalt  }
0x45: {  	_ =	shalt  }
0x46: {  	_ =	shalt  }
0x47: {  	_ =	shalt  }
0x48: {  	_ =	shalt  }
0x49: {  	_ =	shalt  }
0x4a: {  	_ =	shalt  }
0x4b: {  	_ =	shalt  }
0x4c: {  	_ =	shalt  }
0x4d: {  	_ =	shalt  }
0x4e: {  	_ =	shalt  }
0x4f: {  	_ =	shalt  }
0x50: {  	_ =	shalt  }
0x51: {  	_ =	shalt  }
0x52: {  	_ =	shalt  }
0x53: {  	_ =	shalt  }
0x54: {  	_ =	shalt  }
0x55: {  	_ =	shalt  }
0x56: {  	_ =	shalt  }
0x57: {  	_ =	shalt  }
0x58: {  	_ =	shalt  }
0x59: {  	_ =	shalt  }
0x5a: {  	_ =	shalt  }
0x5b: {  	_ =	shalt  }
0x5c: {  	_ =	shalt  }
0x5d: {  	_ =	shalt  }
0x5e: {  	_ =	shalt  }
0x5f: {  	_ =	shalt  }
0x60: {  	_ =	shalt  }
0x61: {  	_ =	shalt  }
0x62: {  	_ =	shalt  }
0x63: {  	_ =	shalt  }
0x64: {  	_ =	shalt  }
0x65: {  	_ =	shalt  }
0x66: {  	_ =	shalt  }
0x67: {  	_ =	shalt  }
0x68: {  	_ =	shalt  }
0x69: {  	_ =	shalt  }
0x6a: {  	_ =	shalt  }
0x6b: {  	_ =	shalt  }
0x6c: {  	_ =	shalt  }
0x6d: {  	_ =	shalt  }
0x6e: {  	_ =	shalt  }
0x6f: {  	_ =	shalt  }
0x70: {  	_ =	shalt  }
0x71: {  	_ =	shalt  }
0x72: {  	_ =	shalt  }
0x73: {  	_ =	shalt  }
0x74: {  	_ =	shalt  }
0x75: {  	_ =	shalt  }
0x76: {  	_ =	shalt  }
0x77: {  	_ =	shalt  }
0x78: {  	_ =	shalt  }
0x79: {  	_ =	shalt  }
0x7a: {  	_ =	shalt  }
0x7b: {  	_ =	shalt  }
0x7c: {  	_ =	shalt  }
0x7d: {  	_ =	shalt  }
0x7e: {  	_ =	shalt  }
0x7f: {  	_ =	shalt  }
0x80: {  	_ =	shalt  }
0x81: {  	_ =	shalt  }
0x82: {  	_ =	shalt  }
0x83: {  	_ =	shalt  }
0x84: {  	_ =	shalt  }
0x85: {  	_ =	shalt  }
0x86: {  	_ =	shalt  }
0x87: {  	_ =	shalt  }
.Lfunc_end0:
.L_simem_size_0:
called_computation.1_lowered:
.L_overlay_start_0:
0x88: {  	s2 =	sld [smem:$0x3FD9]  }
0x89: {  	s3 =	sld [smem:$0x3FFE];
	_ =	sdelay $0x1  }
0x8a: {  	s1 =	srdreg.scid  }
0x8b: {  	s0 =	sand.u32 $0x1, s1  }
0x8c: {  	s15 =	sshll.u32 s0, $0xA;
	s2 =	sadd.s32 s3, s2  }
0x8d: {  	s2 =	sadd.s32 s2, s15  }
0x8e: {  	[smem:$0x3FC2] =	sst s2  }
0x8f: {  	_ = 	snop  }
0x90: {  	s2 =	sld [smem:$0x3FD0];
	_ =	sdelay $0x2  }
0x91: {  	s4 =	simm.s32 $0xB;
	s16 =	simm.s32 $0x10  }
0x92: {  	[smem:s16], [sflag:s4] =	dma.local [hbm:s2], $0x1  }
0x93: {  	_ =	swait.eq [sflag:s4], $0x1  }
0x94: {  	[sflag:s4] =	ssyncset.done $0x0  }
0x95: {  	s17 =	sld [smem:$0x10];
	[sflag:s4] =	ssyncadd.s32 $0xFFFFFFFF  }
0x96: {  	s18 =	sld [smem:$0x11];
	(tm) =	ssettm $0x1  }
0x97: {  	s19 =	sld [smem:$0x3FFB];
	_ =	sdelay $0x3  }
0x98: {  	_ =	strace s19  }
0x99: {  	s2 =	sld [smem:$0x3FFC];
	_ =	sdelay $0x3  }
0x9a: {  	_ =	strace s2  }
0x9b: {  	s2 =	sld [smem:$0x3FFD];
	_ =	sdelay $0x3  }
0x9c: {  	_ =	strace s2  }
0x9d: {  	_ =	strace $0x8FFFFFFF  }
0x9e: {  	s20 =	sld [smem:$0x3FDB];
	_ =	sdelay $0x1  }
0x9f: {  	s5 =	simm.s32 $_scs_section_size  }
0xa0: {  	s6 =	simm.s32 $_size__tile_overlayer_lowered;
	s7 =	simm.s32 $_tile_overlayer_lowered  }
0xa1: {  	s8 =	simm.s32 $0x1BFF;
	s21 =	sshll.u32 s7, $0x1;
	s5 =	sadd.s32 s5, s20  }
0xa2: {  	s22 =	simm.s32 $0x0;
	s6 =	sshll.u32 s6, $0x1;
	s7 =	sadd.s32 s21, s5  }
0xa3: {  	[timem:s22], [sflag:s8] =	dma.local [hbm:s7], s6  }
0xa4: {  	_ =	swait.ge [sflag:s8], s6  }
0xa5: {  	s6 =	ssub.s32 $0x0, s6;
	[sflag:s8] =	ssyncset.done $0x0  }
0xa6: {  	[sflag:s8] =	ssyncadd.s32 s6;
	_ =	sdelay $0x1  }
0xa7: {  	s23 =	simm.s32 $0x1B8B  }
0xa8: {  	_ =	swait.ge [sflag:s23], $0x1  }
0xa9: {  	[sflag:s23] =	ssyncset.done $0x0  }
0xaa: {  	[sflag:s23] =	ssyncadd.s32 $0xFFFFFFFF  }
0xab: {  	s6 =	sld [smem:$0x0]  }
0xac: {  	s7 =	sand.u32 $0xFFFFFFFE, s1  }
0xad: {  	p0 =	sne.s32 s1, s7  }
0xae: {  	s7 =	sshll.u32 @p0 s7, $0xE  }
0xaf: {  	s7 =	sadd.s32 @p0 $0x11B8D, s7;
	s8 =	sshll.u32 @p0 s6, $0x11  }
0xb0: {  	s7 =	sor.u32 @p0 s8, s7  }
0xb1: {  	[sflag:s7] =	ssyncadd.remote.s32 @p0 $0x1;
	_ =	sdelay $0x1  }
0xb2: {  	s7 =	simm.s32 @p0 $0x1B8D  }
0xb3: {  	_ =	swait.eq @p0 [sflag:s7], $0x1  }
0xb4: {  	[sflag:s7] =	ssyncadd.s32 @p0 $0xFFFFFFFF  }
0xb5: {  	s8 =	sshll.u32 @!p0 s1, $0xE  }
0xb6: {  	s8 =	sor.u32 @!p0 $0x4000, s8;
	s7 =	simm.s32 @!p0 $0x1B8D  }
0xb7: {  	s6 =	sshll.u32 @!p0 s6, $0x11;
	s8 =	sadd.s32 @!p0 $0x11B8D, s8;
	_ =	swait.eq @!p0 [sflag:s7], $0x1  }
0xb8: {  	s6 =	sor.u32 @!p0 s6, s8;
	[sflag:s7] =	ssyncadd.s32 @!p0 $0xFFFFFFFF  }
0xb9: {  	s25 =	simm.s32 $0x1B8E;
	s24 =	sld [smem:$0x3FFE];
	[sflag:s6] =	ssyncadd.remote.s32 @!p0 $0x1  }
0xba: {  	s26 =	simm.s32 $execute0_lowered;
	[smem:$0x3FD2] =	sst s25  }
0xbb: {  	s7 =	sshll.u32 s26, $0x1;
	_ =	strace $0x80000049;
	[dreg:$0x1] =	wrdreg $0xFFFFFFFF  }
0xbc: {  	s28 =	simm.s32 $_size_execute0_lowered;
	s5 =	sadd.s32 s5, s7;
	[dreg:$0x0] =	wrdreg $0x0  }
0xbd: {  	s7 =	sshll.u32 s28, $0x1;
	[dreg:$0x2] =	wrdreg s5  }
0xbe: {  	[dreg:$0x3] =	wrdreg s7  }
0xbf: {  	[dreg:$0x4] =	wrdreg $0xC0  }
0xc0: {  	_ =	task [dreg:s22], $0x5FFFF  }
0xc1: {  	[dreg:$0x1] =	wrdreg $0xFFFFFFFF  }
0xc2: {  	[dreg:$0x0] =	wrdreg $0x60  }
0xc3: {  	[dreg:$0x2] =	wrdreg s17  }
0xc4: {  	[dreg:$0x3] =	wrdreg s24  }
0xc5: {  	[dreg:$0x4] =	wrdreg s18  }
0xc6: {  	[dreg:$0x5] =	wrdreg $0xA  }
0xc7: {  	_ =	task.clear_ibuf [dreg:s22], $0x6FFFF;
	_ =	strace $0x90000049  }
0xc8: {  	s29 =	simm.s32 $0xA;
	_ =	strace $0x8000004B  }
0xc9: {  	_ =	swait.ge [sflag:s29], $0x1  }
0xca: {  	[sflag:s29] =	ssyncadd.s32 $0xFFFFFFFF  }
0xcb: {  	_ =	strace $0x9000004B  }
0xcc: {  	_ =	sfence  }
0xcd: {  	s30 =	sld [smem:$0x0];
	_ =	sdelay $0x2  }
0xce: {  	s31 =	sshll.u32 s1, $0xD;
	s1 =	sshrl.u32 s1, $0x2  }
0xcf: {  	s4 =	sand.u32 $0x4000, s31;
	s1 =	sadd.s32 s1, s30  }
0xd0: {  	s0 =	sor.u32 s4, s0;
	s1 =	sshll.u32 s1, $0x11  }
0xd1: {  	s0 =	sor.u32 s1, s0  }
0xd2: {  	s0 =	sadd.s32 $0x8F2B, s0  }
0xd3: {  	[sflag:s0] =	ssyncadd.remote.s32 $0x1  }
0xd4: {  	_ =	sfence.sel $0xFFFF  }
0xd5: {  	[dreg:$0x0] =	wrdreg $0xFFFFFFFF;
	(pc) =	sbr.abs _section_cstart, $3  }
0xd6: {  	[dreg:$0x1] =	wrdreg $0xFFFFFFFF  }
0xd7: {  	_ =	task.clear_ibuf [dreg:s22], $0x2FFFF;
	_ =	strace $0x9FFFFFFF  }
0xd8: {  	(tm) =	ssettm $0x7FFFFFFF  }
0xd9: {  	_ =	shalt  }
tec
execute0_lowered:
.L_overlay_start_1:
0x0: {  	(tag) =	ssettag $0x1  }
0x1: {  	s3 =	rddreg [dreg:$0x0]  }
0x2: {  	s4 =	rddreg [dreg:$0x1]  }
0x3: {  	s6 =	rddreg [dreg:$0x2];
	s2 =	simm.s32 $0x0;
	s5 =	srdreg.scid  }
0x4: {  	s1 =	stileid.u32;
	s12 =	simm.s32 $0x2580;
	s13 =	simm.s32 $0x2600  }
0x5: {  	s14 =	simm.s32 $0x2680;
	s15 =	simm.s32 $0x2700;
	s16 =	simm.s32 $0x2780  }
0x6: {  	s17 =	simm.s32 $0x1000;
	s18 =	simm.s32 $0x2000;
	s19 =	simm.s32 $0x0  }
0x7: {  	[smem:$0x7FF] =	sst s2;
	s5 =	sand.u32 $0x1, s5;
	s7 =	sshll.u32 s1, $0x1  }
0x8: {  	_ =	strace $0x8000004A;
	s7 =	sor.u32 s5, s7;
	s5 =	ssub.s32 $0x2, s5  }
0x9: {  	s8 =	sshll.u32 s7, $0x9;
	s7 =	sshll.u32 s7, $0x7;
	s31 =	sshrl.u32 s5, $0x1  }
0xa: {  	s9 =	sadd.s32 s8, s4;
	s10 =	sadd.s32 s7, s4;
	s11 =	ssub.s32 s5, s31  }
0xb: {  	s3 =	sadd.s32 s3, s8;
	s6 =	sadd.s32 s6, s7;
	s8 =	simm.s32 $0x1  }
0xc: {  	s4 =	sadd.s32 $0xAA00, s9;
	s5 =	sadd.s32 $0xEA00, s10;
	s7 =	smax.u32 s11, $0x1  }
0xd: {  	v0 =	vimm.f32 $0.0e+00;
	v1 =	vimm.s32 $0x7;
	s9 =	simm.s32 $0x2400;
	s10 =	simm.s32 $0x2480;
	s11 =	simm.s32 $0x2500  }
.LBB2_1:
0xe: {  	[tilespmem:s2], [sflag:$0x1] =	stream.linear.gather [hbm4b:s3+s2], $0x1000, $0x38;
	[tilespmem:$0x2800] =	vst v63  }
0xf: {  	_ =	swait.ge [sflag:s8], $0x1000  }
0x10: {  	[sflag:s8] =	ssyncset.done $0x0  }
0x11: {  	[sflag:s8] =	ssyncadd.s32 $0xFFFFF000  }
0x12: {  	[tilespmem:$0x2400] =	vst v0  }
0x13: {  	[tilespmem:$0x2480] =	vst v0  }
0x14: {  	[tilespmem:$0x2500] =	vst v0  }
0x15: {  	[tilespmem:$0x2580] =	vst v0  }
0x16: {  	[tilespmem:$0x2600] =	vst v0  }
0x17: {  	[tilespmem:$0x2680] =	vst v0  }
0x18: {  	s20 =	sand.u32 $0x70, s2;
	s24 =	sand.u32 $0x7FFFFC00, s2;
	[tilespmem:$0x2700] =	vst v0  }
0x19: {  	s21 =	sor.u32 s20, s24;
	[tilespmem:$0x2780] =	vst v0  }
0x1a: {  	s22 =	sand.u32 $0xFFFFFC00, s2;
	v3 =	vld [tilespmem:s21+$0x0]  }
0x1b: {  	s22 =	sadd.s32 $0x0, s22;
	v4 =	vld [tilespmem:s21+$0x80]  }
0x1c: {  	s23 =	sor.u32 $0x180, s22;
	v5 =	vld [tilespmem:s21+$0x100]  }
0x1d: {  	v6 =	vld [tilespmem:s23+$0x0]  }
0x1e: {  	v7 =	vld [tilespmem:s21+$0x200]  }
0x1f: {  	v8 =	vld [tilespmem:s21+$0x280]  }
0x20: {  	s22 =	sor.u32 $0x380, s22;
	v9 =	vld [tilespmem:s21+$0x300];
	v2 =	vmax.f32 v3, v4  }
0x21: {  	v10 =	vld [tilespmem:s22+$0x0];
	v2 =	vmax.f32 v2, v5  }
0x22: {  	v2 =	vmax.f32 v2, v6  }
0x23: {  	v2 =	vmax.f32 v2, v7  }
0x24: {  	v2 =	vmax.f32 v2, v8  }
0x25: {  	v2 =	vmax.f32 v2, v9  }
0x26: {  	v11 =	vmax.f32 v2, v10  }
0x27: {  	vm0 =	veq.f32 v9, v11  }
0x28: {  	v2 =	vsel vm0, $0x6, v1;
	vm0 =	veq.f32 v8, v11  }
0x29: {  	v2 =	vsel vm0, $0x5, v2;
	vm0 =	veq.f32 v7, v11  }
0x2a: {  	vm1 =	veq.f32 v6, v11;
	v2 =	vsel vm0, $0x4, v2  }
0x2b: {  	vm0 =	veq.f32 v5, v11;
	v2 =	vsel vm1, $0x3, v2  }
0x2c: {  	vm1 =	veq.f32 v4, v11;
	v2 =	vsel vm0, $0x2, v2  }
0x2d: {  	vm6 =	vne.f32 v3, v11;
	v2 =	vsel vm1, $0x1, v2  }
0x2e: {  	vm3 =	vmand vm6, vm1;
	v2 =	vnsel vm6, $0x0, v2  }
0x2f: {  	v3 =	vnsel vm6, $0xF149F2CA, v3;
	v4 =	vsel vm3, $0xF149F2CA, v4;
	vm4 =	veq.s32 v2, $0x2  }
0x30: {  	v12 =	vmax.f32 v3, v4;
	vm7 =	veq.s32 v2, $0x3;
	v5 =	vsel vm4, $0xF149F2CA, v5  }
0x31: {  	vm5 =	veq.s32 v2, $0x4;
	v6 =	vsel vm7, $0xF149F2CA, v6;
	v12 =	vmax.f32 v12, v5  }
0x32: {  	vm0 =	veq.s32 v2, $0x5;
	v7 =	vsel vm5, $0xF149F2CA, v7;
	v12 =	vmax.f32 v12, v6  }
0x33: {  	vm1 =	veq.s32 v2, $0x6;
	v8 =	vsel vm0, $0xF149F2CA, v8;
	v12 =	vmax.f32 v12, v7  }
0x34: {  	vm2 =	veq.s32 v2, $0x7;
	v9 =	vsel vm1, $0xF149F2CA, v9;
	v12 =	vmax.f32 v12, v8  }
0x35: {  	v10 =	vsel vm2, $0xF149F2CA, v10;
	v12 =	vmax.f32 v12, v9  }
0x36: {  	v10 =	vmax.f32 v12, v10  }
0x37: {  	v11 =	vsub.f32 v10, v11;
	_ =	sdelay $0x1  }
0x38: {  	v11 =	vmul.f32 $1.442695020e+00, v11;
	_ =	sdelay $0x1  }
0x39: {  	(erf) = vpow2.f32 v11;
	_ =	sdelay $0x8  }
0x3a: {  	v11 =	vpop (erf)  }
0x3b: {  	v62 =	vadd.f32 $1.000000000e+00, v11;
	_ =	sdelay $0x1  }
0x3c: {  	(erf) = vrcp.f32 v62  }
0x3d: {  	vm8 =	veq.f32 v9, v10  }
0x3e: {  	vm9 =	veq.f32 v8, v10;
	v63 =	vsel vm8, $0x6, v1  }
0x3f: {  	vm8 =	veq.f32 v7, v10;
	v7 =	vsel vm9, $0x5, v63  }
0x40: {  	vm9 =	veq.f32 v6, v10;
	v6 =	vsel vm8, $0x4, v7  }
0x41: {  	vm8 =	veq.f32 v5, v10;
	v5 =	vsel vm9, $0x3, v6  }
0x42: {  	vm9 =	veq.f32 v4, v10;
	v4 =	vsel vm8, $0x2, v5;
	_ =	sdelay $0x2  }
0x43: {  	vm8 =	vne.f32 v3, v10;
	v3 =	vsel vm9, $0x1, v4;
	v4 =	vpop (erf)  }
0x44: {  	s25 =	simm.s32 $0x80;
	s26 =	simm.s32 $0x0;
	s24 =	sshrl.u32 s24, $0x2;
	vm9 =	vmand vm8, vm9;
	v3 =	vnsel vm8, $0x0, v3;
	v5 =	vmul.f32 v4, v11  }
.LBB2_2:
0x45: {  	p0 =	sne.s32 s25, $0xF80  }
0x46: {  	vm10 =	veq.s32 v3, $0x2;
	vm11 =	veq.s32 v3, $0x3;
	vm12 =	veq.s32 v3, $0x6;
	s26 =	sadd.s32 $0x10, s26;
	s29 =	smov.u32 s25;
	s25 =	sadd.s32 $0x80, s25  }
0x47: {  	s28 =	sand.u32 $0x70, s26;
	s30 =	sand.u32 $0x7FFFFC00, s29;
	v6 =	vsel vm8, $0x0, v5;
	v7 =	vnsel vm9, $0x0, v5;
	vm8 =	veq.s32 v3, $0x4  }
0x48: {  	v8 =	vnsel vm10, $0x0, v5;
	v9 =	vnsel vm11, $0x0, v5;
	s31 =	sor.u32 s28, s30;
	s30 =	sshrl.u32 s30, $0x2;
	v6 =	vsel vm6, v6, v4  }
0x49: {  	s29 =	sand.u32 $0xFFFFFC00, s29;
	v9 =	vsel vm7, v4, v9;
	v10 =	vnsel vm8, $0x0, v5;
	vm6 =	veq.s32 v3, $0x5;
	[tilespmem:s21+$0x1000] =	vst v6  }
0x4a: {  	s29 =	sadd.s32 s29, s26;
	[tilespmem:s9+$0x0] =	vst.add.f32.msk $0xffff, v6;
	v6 =	vsel vm3, v4, v7;
	v7 =	vsel vm5, v4, v10;
	vm3 =	veq.s32 v3, $0x7  }
0x4b: {  	v8 =	vsel vm4, v4, v8;
	s0 =	sor.u32 $0x180, s29;
	v10 =	vnsel vm12, $0x0, v5;
	[tilespmem:s21+$0x1080] =	vst v6;
	v11 =	vnsel vm3, $0x0, v5  }
0x4c: {  	v5 =	vnsel vm6, $0x0, v5;
	[tilespmem:s10+$0x0] =	vst.add.f32.msk $0xffff, v6;
	v6 =	vsel vm1, v4, v10;
	v10 =	vsel vm2, v4, v11  }
0x4d: {  	v4 =	vsel vm0, v4, v5;
	[tilespmem:s21+$0x1100] =	vst v8  }
0x4e: {  	[tilespmem:s11+$0x0] =	vst.add.f32.msk $0xffff, v8  }
0x4f: {  	s29 =	sor.u32 $0x380, s29;
	[tilespmem:s23+$0x1000] =	vst v9;
	s23 =	smov.u32 s0  }
0x50: {  	[tilespmem:s12+$0x0] =	vst.add.f32.msk $0xffff, v9  }
0x51: {  	[tilespmem:s21+$0x1200] =	vst v7  }
0x52: {  	[tilespmem:s13+$0x0] =	vst.add.f32.msk $0xffff, v7  }
0x53: {  	[tilespmem:s21+$0x1280] =	vst v4  }
0x54: {  	[tilespmem:s14+$0x0] =	vst.add.f32.msk $0xffff, v4  }
0x55: {  	[tilespmem:s21+$0x1300] =	vst v6;
	s21 =	smov.u32 s31  }
0x56: {  	[tilespmem:s15+$0x0] =	vst.add.f32.msk $0xffff, v6  }
0x57: {  	[tilespmem:s22+$0x1000] =	vst v10;
	s22 =	smov.u32 s29  }
0x58: {  	s0 =	sor.u32 s20, s24;
	s20 =	smov.u32 s28;
	s24 =	smov.u32 s30;
	[tilespmem:s16+$0x0] =	vst.add.f32.msk $0xffff, v10  }
0x59: {  	[tilespmem:s0+$0x2000] =	vst v2  }
0x5a: {  	[tilespmem:s0+$0x2080] =	vst v3  }
0x5b: {  	v2 =	vld [tilespmem:s21+$0x0]  }
0x5c: {  	v3 =	vld [tilespmem:s21+$0x80]  }
0x5d: {  	v4 =	vld [tilespmem:s21+$0x100]  }
0x5e: {  	v5 =	vld [tilespmem:s23+$0x0]  }
0x5f: {  	v6 =	vld [tilespmem:s21+$0x200]  }
0x60: {  	v7 =	vld [tilespmem:s21+$0x280]  }
0x61: {  	v8 =	vld [tilespmem:s21+$0x300];
	v9 =	vmax.f32 v2, v3  }
0x62: {  	v10 =	vld [tilespmem:s22+$0x0];
	v9 =	vmax.f32 v9, v4  }
0x63: {  	v9 =	vmax.f32 v9, v5  }
0x64: {  	v9 =	vmax.f32 v9, v6  }
0x65: {  	v9 =	vmax.f32 v9, v7  }
0x66: {  	v9 =	vmax.f32 v9, v8  }
0x67: {  	v9 =	vmax.f32 v9, v10  }
0x68: {  	vm0 =	veq.f32 v8, v9;
	vm1 =	veq.f32 v5, v9;
	vm2 =	veq.f32 v4, v9  }
0x69: {  	vm4 =	veq.f32 v3, v9;
	v11 =	vsel vm0, $0x6, v1;
	vm0 =	veq.f32 v7, v9  }
0x6a: {  	v11 =	vsel vm0, $0x5, v11;
	vm0 =	veq.f32 v6, v9  }
0x6b: {  	v11 =	vsel vm0, $0x4, v11  }
0x6c: {  	vm6 =	vne.f32 v2, v9;
	v11 =	vsel vm1, $0x3, v11  }
0x6d: {  	v12 =	vnsel vm6, $0xF149F2CA, v2;
	vm3 =	vmand vm6, vm4;
	v11 =	vsel vm2, $0x2, v11  }
0x6e: {  	v3 =	vsel vm3, $0xF149F2CA, v3;
	v2 =	vsel vm4, $0x1, v11  }
0x6f: {  	v11 =	vmax.f32 v12, v3;
	v2 =	vnsel vm6, $0x0, v2  }
0x70: {  	vm4 =	veq.s32 v2, $0x2;
	vm7 =	veq.s32 v2, $0x3;
	vm5 =	veq.s32 v2, $0x4  }
0x71: {  	vm0 =	veq.s32 v2, $0x5;
	vm1 =	veq.s32 v2, $0x6;
	v4 =	vsel vm4, $0xF149F2CA, v4  }
0x72: {  	vm2 =	veq.s32 v2, $0x7;
	v5 =	vsel vm7, $0xF149F2CA, v5;
	v11 =	vmax.f32 v11, v4  }
0x73: {  	v6 =	vsel vm5, $0xF149F2CA, v6;
	v11 =	vmax.f32 v11, v5  }
0x74: {  	v7 =	vsel vm0, $0xF149F2CA, v7;
	v11 =	vmax.f32 v11, v6  }
0x75: {  	v8 =	vsel vm1, $0xF149F2CA, v8;
	v11 =	vmax.f32 v11, v7  }
0x76: {  	v10 =	vsel vm2, $0xF149F2CA, v10;
	v11 =	vmax.f32 v11, v8  }
0x77: {  	v10 =	vmax.f32 v11, v10  }
0x78: {  	vm8 =	veq.f32 v8, v10;
	vm9 =	veq.f32 v7, v10;
	v7 =	vsub.f32 v10, v9  }
0x79: {  	vm10 =	veq.f32 v5, v10;
	v8 =	vsel vm8, $0x6, v1;
	vm8 =	veq.f32 v6, v10  }
0x7a: {  	vm11 =	veq.f32 v4, v10;
	v5 =	vsel vm9, $0x5, v8;
	v4 =	vmul.f32 $1.442695020e+00, v7  }
0x7b: {  	vm12 =	veq.f32 v3, v10;
	v5 =	vsel vm8, $0x4, v5;
	vm8 =	vne.f32 v12, v10  }
0x7c: {  	v3 =	vsel vm10, $0x3, v5;
	vm9 =	vmand vm8, vm12;
	(erf) = vpow2.f32 v4  }
0x7d: {  	v3 =	vsel vm11, $0x2, v3  }
0x7e: {  	v3 =	vsel vm12, $0x1, v3;
	_ =	sdelay $0x6  }
0x7f: {  	v5 =	vpop (erf)  }
0x80: {  	v4 =	vadd.f32 $1.000000000e+00, v5;
	_ =	sdelay $0x1  }
0x81: {  	(erf) = vrcp.f32 v4;
	_ =	sdelay $0x5  }
.Ltmp0:
0x82: {  	(pc) =	sbr.rel @p0 .LBB2_2-.Ltmp0, $3  }
0x83: {  	_ =	sdelay $0x1  }
0x84: {  	v4 =	vpop (erf)  }
0x85: {  	v3 =	vnsel vm8, $0x0, v3;
	v5 =	vmul.f32 v4, v5  }
0x86: {  	_ = 	snop  }
0x87: {  	v6 =	vsel vm8, $0x0, v5  }
0x88: {  	v6 =	vsel vm6, v6, v4  }
0x89: {  	v7 =	vnsel vm9, $0x0, v5;
	[tilespmem:s21+$0x1000] =	vst v6  }
0x8a: {  	vm10 =	veq.s32 v3, $0x2;
	v56 =	vsel vm3, v4, v7;
	[tilespmem:s9+$0x0] =	vst.add.f32.msk $0xffff, v6  }
0x8b: {  	v57 =	vnsel vm10, $0x0, v5;
	[tilespmem:s21+$0x1080] =	vst v56  }
0x8c: {  	vm11 =	veq.s32 v3, $0x3;
	v7 =	vsel vm4, v4, v57;
	[tilespmem:s10+$0x0] =	vst.add.f32.msk $0xffff, v56  }
0x8d: {  	v58 =	vnsel vm11, $0x0, v5;
	[tilespmem:s21+$0x1100] =	vst v7  }
0x8e: {  	vm12 =	veq.s32 v3, $0x4;
	v6 =	vsel vm7, v4, v58;
	[tilespmem:s11+$0x0] =	vst.add.f32.msk $0xffff, v7  }
0x8f: {  	v59 =	vnsel vm12, $0x0, v5;
	[tilespmem:s23+$0x1000] =	vst v6  }
0x90: {  	vm13 =	veq.s32 v3, $0x5;
	v7 =	vsel vm5, v4, v59;
	[tilespmem:s12+$0x0] =	vst.add.f32.msk $0xffff, v6  }
0x91: {  	v60 =	vnsel vm13, $0x0, v5;
	[tilespmem:s21+$0x1200] =	vst v7  }
0x92: {  	vm14 =	veq.s32 v3, $0x6;
	v6 =	vsel vm0, v4, v60;
	[tilespmem:s13+$0x0] =	vst.add.f32.msk $0xffff, v7  }
0x93: {  	v61 =	vnsel vm14, $0x0, v5;
	[tilespmem:s21+$0x1280] =	vst v6  }
0x94: {  	vm15 =	veq.s32 v3, $0x7;
	v7 =	vsel vm1, v4, v61;
	[tilespmem:s14+$0x0] =	vst.add.f32.msk $0xffff, v6  }
0x95: {  	v62 =	vnsel vm15, $0x0, v5;
	[tilespmem:s21+$0x1300] =	vst v7  }
0x96: {  	v63 =	vsel vm2, v4, v62;
	[tilespmem:s15+$0x0] =	vst.add.f32.msk $0xffff, v7  }
0x97: {  	[tilespmem:s22+$0x1000] =	vst v63  }
0x98: {  	s0 =	sor.u32 s20, s24;
	[tilespmem:s16+$0x0] =	vst.add.f32.msk $0xffff, v63  }
0x99: {  	[tilespmem:s0+$0x2000] =	vst v2  }
0x9a: {  	[tilespmem:s0+$0x2080] =	vst v3  }
0x9b: {  	[hbm4b:s4+s2] =	stream.linear.scatter [tilespmem:s17], [sflag:$0x1], $0x1000, $0x38;
	[tilespmem:$0x2800] =	vst v63  }
0x9c: {  	_ =	swait.ge [sflag:s8], $0x1000  }
0x9d: {  	[sflag:s8] =	ssyncset.done $0x0  }
0x9e: {  	[sflag:s8] =	ssyncadd.s32 $0xFFFFF000  }
0x9f: {  	[hbm4b:s5+s2] =	stream.linear.scatter [tilespmem:s18], [sflag:$0x1], $0x400, $0x38;
	[tilespmem:$0x2800] =	vst v63  }
0xa0: {  	s19 =	sadd.s32 $0x1, s19;
	_ =	swait.ge [sflag:s8], $0x400  }
0xa1: {  	p0 =	sne.s32 s19, s7;
	[sflag:s8] =	ssyncset.done $0x0  }
.Ltmp1:
0xa2: {  	[sflag:s8] =	ssyncadd.s32 $0xFFFFFC00;
	(pc) =	sbr.rel @p0 .LBB2_1-.Ltmp1, $4  }
0xa3: {  	[hbm4b:s6+s2] =	stream.linear.scatter [tilespmem:s9], [sflag:$0x1], $0x400, $0x38;
	[tilespmem:$0x2800] =	vst v63  }
0xa4: {  	_ =	swait.ge [sflag:s8], $0x400  }
0xa5: {  	[sflag:s8] =	ssyncset.done $0x0  }
0xa6: {  	[sflag:s8] =	ssyncadd.s32 $0xFFFFFC00  }
0xa7: {  	_ =	sfence.sel $0x180000  }
0xa8: {  	[bflag:$0x0] =	sbarrier.arrive $0xFFFF  }
0xa9: {  	_ =	strace $0x9000004A  }
0xaa: {  	[bflag:$0x2] =	sbarrier.arrive $0xFFFF  }
0xab: {  	p0 =	sne.s32 s1, $0x0;
	s0 =	rddreg [dreg:$0x3]  }
0xac: {  	s0 =	sadd.s32 @!p0 $0x100000, s0  }
0xad: {  	[sflag:s0] =	ssyncadd.tile.s32 @!p0 $0x1;
	_ =	shalt  }
.Lfunc_end2:
_tile_overlayer_lowered:
.L_overlay_start_2:
0xae: {  	(tag) =	ssettag $0x2  }
0xaf: {  	s0 =	rddreg [dreg:$0x0];
	s2 =	stileid.u32  }
0xb0: {  	s1 =	rddreg [dreg:$0x1];
	p0 =	sne.s32 s2, $0x0  }
0xb1: {  	s3 =	rddreg [dreg:$0x2];
	[bflag:$0x3] =	sbarrier.arrive $0xFFFF;
	s2 =	simm.s32 @!p0 $0x1C01  }
0xb2: {  	[timem:s3], [sflag:s2] =	dma.local @!p0 [hbm:s0], s1  }
0xb3: {  	s0 =	simm.s32 @!p0 $0x1  }
0xb4: {  	_ =	swait.ge @!p0 [sflag:s0], s1  }
0xb5: {  	s1 =	ssub.s32 @!p0 $0x0, s1;
	[sflag:s0] =	ssyncset.done @!p0 $0x0  }
0xb6: {  	[sflag:s0] =	ssyncadd.s32 @!p0 s1  }
0xb7: {  	[bflag:$0x3] =	sbarrier.arrive $0xFFFF  }
0xb8: {  	_ =	shalt  }

</sc_bundles>
